<compile_context>
chip_gen: v7x
topology: tpu7x:2x2x1
jax: 0.10.2.dev20260603
libtpu: 0.0.44.dev20260713+nightly
codegen_flags: <defaults>
</compile_context>

<pallas_src>
import functools

import jax
import jax.numpy as jnp
from jax import lax
from jax.experimental import pallas as pl
from jax.experimental.pallas import tpu as pltpu
from jax.experimental.pallas import tpu_sc as plsc

_N_SPARSE = 26
_N_DENSE = 13
_VOCAB = 100000
_EMB = 16
_B = 16384
_FLAT = _N_SPARSE * _EMB
_ROWS = _B * _N_SPARSE
_VSEG = _VOCAB // 8

_NC, _NS = 2, 16
_NW = _NC * _NS
_RPW = _ROWS // _NW
_CHUNK = 1024
_NCHUNK = _RPW // _CHUNK


def _sc_gather(tables_flat, idx_flat):
  mesh = plsc.VectorSubcoreMesh(core_axis_name="c", subcore_axis_name="s")

  @functools.partial(
      pl.kernel,
      mesh=mesh,
      out_type=jax.ShapeDtypeStruct((_ROWS, _EMB), jnp.float32),
      scratch_types=[
          pltpu.VMEM((_CHUNK,), jnp.int32),
          pltpu.VMEM((_CHUNK, _EMB), jnp.float32),
          pltpu.SemaphoreType.DMA,
      ],
      compiler_params=pltpu.CompilerParams(use_tc_tiling_on_sc=False),
  )
  def k(tab_hbm, idx_hbm, out_hbm, idx_v, rows_v, sem):
    wid = lax.axis_index("s") * _NC + lax.axis_index("c")
    base = wid * _RPW
    for j in range(_NCHUNK):
      off = base + j * _CHUNK
      pltpu.sync_copy(idx_hbm.at[pl.ds(off, _CHUNK)], idx_v)
      pltpu.make_async_copy(tab_hbm.at[idx_v], rows_v, sem).start()
      pltpu.make_async_copy(tab_hbm.at[idx_v], rows_v, sem).wait()
      pltpu.sync_copy(rows_v, out_hbm.at[pl.ds(off, _CHUNK)])

  return k(tables_flat, idx_flat)


def _tr_body(in_ref, out_hbm, x_scr, y_scr, sem):
  f = pl.program_id(0)
  nf = pl.num_programs(0)
  for j in range(8):
    x_scr[j * _EMB:(j + 1) * _EMB, :] = in_ref[0, :, j * _VSEG:(j + 1) * _VSEG]
  off = jax.lax.rem(f, 2) * _VSEG

  @pl.when(f >= 2)
  def _wait_slot():
    pltpu.make_async_copy(
        y_scr.at[pl.ds(off, _VSEG)],
        out_hbm.at[pl.ds((f - 2) * _VSEG, _VSEG)], sem).wait()

  y_scr[pl.ds(off, _VSEG), :] = x_scr[...].T
  pltpu.make_async_copy(
      y_scr.at[pl.ds(off, _VSEG)],
      out_hbm.at[pl.ds(f * _VSEG, _VSEG)], sem).start()

  @pl.when(f == nf - 1)
  def _drain_all():
    for _ in range(2):
      pltpu.make_async_copy(
          y_scr.at[pl.ds(off, _VSEG)],
          out_hbm.at[pl.ds(f * _VSEG, _VSEG)], sem).wait()


def _tc_transpose(tphys):
  rows_pf = _VOCAB * _EMB // 128
  return pl.pallas_call(
      _tr_body,
      grid=(_N_SPARSE,),
      in_specs=[pl.BlockSpec((1, _EMB, _VOCAB), lambda f: (f, 0, 0))],
      out_specs=pl.BlockSpec(memory_space=pl.ANY),
      out_shape=jax.ShapeDtypeStruct((_N_SPARSE * rows_pf, 128), jnp.float32),
      scratch_shapes=[
          pltpu.VMEM((128, _VSEG), jnp.float32),
          pltpu.VMEM((2 * _VSEG, 128), jnp.float32),
          pltpu.SemaphoreType.DMA,
      ],
      compiler_params=pltpu.CompilerParams(
          dimension_semantics=("arbitrary",)),
  )(tphys)


def _dnn_body(g_ref, d_ref, s_ref, w1a_ref, w1b_ref, b1_ref, w2_ref, b2_ref,
              w3_ref, b3_ref, wf_ref, bf_ref, out_ref):
  f32 = jnp.float32
  g = g_ref[...]
  dd = d_ref[...]
  sum_e = lax.dot(g, s_ref[...], preferred_element_type=f32)
  t1 = jnp.sum(sum_e * sum_e, axis=1, keepdims=True)
  t2 = jnp.sum(g * g, axis=1, keepdims=True)
  wide = 0.5 * (t1 - t2)
  h = lax.dot(g, w1a_ref[...], preferred_element_type=f32)
  h = h + lax.dot(dd, w1b_ref[...], preferred_element_type=f32)
  h = jax.nn.relu(h + b1_ref[...])
  h = jax.nn.relu(lax.dot(h, w2_ref[...], preferred_element_type=f32)
                  + b2_ref[...])
  h = jax.nn.relu(lax.dot(h, w3_ref[...], preferred_element_type=f32)
                  + b3_ref[...])
  z = lax.dot(wide + h, wf_ref[...], preferred_element_type=f32) + bf_ref[...]
  out_ref[...] = jax.nn.sigmoid(z)


_BB = 512


def _dnn(g, dense, s, w1a, w1b, b1, w2, b2, w3, b3, wf, bf):
  def row_block(i):
    return (i, 0)

  def full(i):
    return (0, 0)

  return pl.pallas_call(
      _dnn_body,
      grid=(_B // _BB,),
      in_specs=[
          pl.BlockSpec((_BB, _FLAT), row_block),
          pl.BlockSpec((_BB, _N_DENSE), row_block),
          pl.BlockSpec((_FLAT, _EMB), full),
          pl.BlockSpec((_FLAT, 256), full),
          pl.BlockSpec((_N_DENSE, 256), full),
          pl.BlockSpec((1, 256), full),
          pl.BlockSpec((256, 128), full),
          pl.BlockSpec((1, 128), full),
          pl.BlockSpec((128, 64), full),
          pl.BlockSpec((1, 64), full),
          pl.BlockSpec((64, 1), full),
          pl.BlockSpec((1, 1), full),
      ],
      out_specs=pl.BlockSpec((_BB, 1), row_block),
      out_shape=jax.ShapeDtypeStruct((_B, 1), jnp.float32),
      compiler_params=pltpu.CompilerParams(
          dimension_semantics=("parallel",)),
  )(g, dense, s, w1a, w1b, b1, w2, b2, w3, b3, wf, bf)


def kernel(x, tables, W1, b1, W2, b2, W3, b3, Wf, bf):
  sparse_idx = x[:, :_N_SPARSE].astype(jnp.int32)
  dense = x[:, _N_SPARSE:]
  perm_row = (jnp.arange(_N_SPARSE, dtype=jnp.int32)[None, :] * _VSEG
              + sparse_idx % _VSEG) * 8 + sparse_idx // _VSEG
  idx_flat = perm_row.reshape(-1)
  tphys = jnp.transpose(tables, (0, 2, 1))
  t128 = _tc_transpose(tphys)
  tables_flat = t128.reshape(_N_SPARSE * _VOCAB, _EMB)
  gathered = _sc_gather(tables_flat, idx_flat)
  g = gathered.reshape(_B, _FLAT)
  s = jnp.tile(jnp.eye(_EMB, dtype=jnp.float32), (_N_SPARSE, 1))
  return _dnn(g, dense, s, W1[:_FLAT], W1[_FLAT:], b1.reshape(1, -1),
              W2, b2.reshape(1, -1), W3, b3.reshape(1, -1),
              Wf, bf.reshape(1, 1))

# --- scband reference (transcript-rebuilt; emitter-appended) ---
"""Pipeline reference for scband-deep-fm-45243185496641 (READ-ONLY COPY).

The authoritative reference and input builder live on the scoring server;
editing this copy changes nothing except your own understanding.
"""

import jax, jax.numpy as jnp
import numpy as np

N_SPARSE = 26
N_DENSE = 13
VOCAB = 100000
EMB = 16
B = 16384
FEA_NUM = N_DENSE + N_SPARSE * EMB  # 429
HID = [256, 128, 64]


def setup_inputs(seed: int = 0) -> dict:
    key = jax.random.key(seed)
    ks = jax.random.split(key, 12)
    # x: first 26 columns are sparse indices (stored as float, cast to long in forward),
    # last 13 columns are dense features.
    sparse_part = jax.random.randint(ks[0], (B, N_SPARSE), 0, VOCAB).astype(jnp.float32)
    dense_part = jax.random.uniform(ks[1], (B, N_DENSE), dtype=jnp.float32)
    x = jnp.concatenate([sparse_part, dense_part], axis=1)
    # 26 embedding tables, all [VOCAB, EMB], stacked.
    tables = jax.random.normal(ks[2], (N_SPARSE, VOCAB, EMB), dtype=jnp.float32) * 0.05
    # DNN weights: 429 -> 256 -> 128 -> 64 (relu), then final linear 64 -> 1.
    W1 = jax.random.normal(ks[3], (FEA_NUM, HID[0]), dtype=jnp.float32) * 0.02
    b1 = jnp.zeros((HID[0],), dtype=jnp.float32)
    W2 = jax.random.normal(ks[4], (HID[0], HID[1]), dtype=jnp.float32) * 0.02
    b2 = jnp.zeros((HID[1],), dtype=jnp.float32)
    W3 = jax.random.normal(ks[5], (HID[1], HID[2]), dtype=jnp.float32) * 0.02
    b3 = jnp.zeros((HID[2],), dtype=jnp.float32)
    Wf = jax.random.normal(ks[6], (HID[2], 1), dtype=jnp.float32) * 0.02
    bf = jnp.zeros((1,), dtype=jnp.float32)
    return {"x": x, "tables": tables, "W1": W1, "b1": b1, "W2": W2, "b2": b2,
            "W3": W3, "b3": b3, "Wf": Wf, "bf": bf}


def reference(x, tables, W1, b1, W2, b2, W3, b3, Wf, bf):
    sparse_idx = x[:, :N_SPARSE].astype(jnp.int32)  # [B, 26]
    dense_inputs = x[:, N_SPARSE:]                   # [B, 13]
    # Per-field embedding lookup: tables[i][sparse_idx[:, i]] -> [B, 26, 16]
    field_idx = jnp.arange(N_SPARSE)[None, :]        # [1, 26]
    sparse_embeds = tables[field_idx, sparse_idx]    # [B, 26, 16]
    # FM second-order term: 0.5 * sum((sum_f e)^2 - sum_f e^2) -> [B, 1]
    sum_e = jnp.sum(sparse_embeds, axis=1)           # [B, 16]
    sq_of_sum = sum_e ** 2
    sum_of_sq = jnp.sum(sparse_embeds ** 2, axis=1)
    wide_outputs = 0.5 * jnp.sum(sq_of_sum - sum_of_sq, axis=-1, keepdims=True)  # [B, 1]
    # DNN on [flattened embeddings ; dense]
    h = jnp.concatenate([sparse_embeds.reshape(sparse_embeds.shape[0], -1), dense_inputs], axis=-1)
    h = jax.nn.relu(h @ W1 + b1)
    h = jax.nn.relu(h @ W2 + b2)
    deep_outputs = jax.nn.relu(h @ W3 + b3)          # [B, 64]
    # wide [B,1] broadcasts against deep [B,64], then final linear + sigmoid
    out = jax.nn.sigmoid((wide_outputs + deep_outputs) @ Wf + bf)  # [B, 1]
    return out

if __name__ == "__main__":
    import jax
    _d = setup_inputs()
    print(jax.jit(kernel)(*tuple(_d.values())))

</pallas_src>

<mosaic_0001>
#map = affine_map<(d0, d1) -> (0, 0)>
#map1 = affine_map<(d0, d1) -> (0)>
module attributes {stable_mosaic.version = 14 : i64} {
  func.func @k(%arg0: i32, %arg1: i32, %arg2: memref<2600000x16xf32, #tpu.memory_space<hbm>>, %arg3: memref<425984xi32, #tpu.memory_space<hbm>>, %arg4: memref<425984x16xf32, #tpu.memory_space<hbm>>, %arg5: memref<1024xi32, #tpu.memory_space<vmem>>, %arg6: memref<1024x16xf32, #tpu.memory_space<vmem>>, %arg7: memref<!tpu.dma_semaphore, #tpu.memory_space<semaphore_mem>>) attributes {dimension_semantics = [#tpu.dimension_semantics<core_parallel>, #tpu.dimension_semantics<subcore_parallel>], iteration_bounds = array<i64: 2, 16>, scalar_prefetch = 0 : i64, scratch_operands = 3 : i64, tpu.core_type = #tpu.core_type<sc_vector_subcore>, window_params = [{transform_indices = #map}, {transform_indices = #map1}, {transform_indices = #map}]} {
    %mul3A = arith.constant 2 : i32
    %mul3A_0 = arith.muli %arg1, %mul3A : i32
    %add3A = arith.addi %mul3A_0, %arg0 : i32
    %mul3A_1 = arith.constant 13312 : i32
    %mul3A_2 = arith.muli %add3A, %mul3A_1 : i32
    %add3A_3 = arith.constant 0 : i32
    %add3A_4 = arith.addi %mul3A_2, %add3A_3 : i32
    "tpu.region"() ({
      %run_scoped3A = tpu.sem_alloc : memref<!tpu.dma_semaphore, #tpu.memory_space<semaphore_mem>>
      %dma_start3A_105 = tpu.memref_slice %arg3[%add3A_4] : memref<425984xi32, #tpu.memory_space<hbm>> -> memref<1024xi32, #tpu.memory_space<hbm>>
      %dma_start3A_106 = tpu.memref_slice %arg3[%add3A_4] : memref<425984xi32, #tpu.memory_space<hbm>> -> memref<1024xi32, #tpu.memory_space<hbm>>
      tpu.enqueue_dma source(%dma_start3A_106 : memref<1024xi32, #tpu.memory_space<hbm>>) target(%arg5 : memref<1024xi32, #tpu.memory_space<vmem>>) target_semaphore(%run_scoped3A : memref<!tpu.dma_semaphore, #tpu.memory_space<semaphore_mem>>)
      %dma_wait3A_107 = tpu.memref_slice %arg3[%add3A_4] : memref<425984xi32, #tpu.memory_space<hbm>> -> memref<1024xi32, #tpu.memory_space<hbm>>
      %dma_wait3A_108 = tpu.memref_slice %arg3[%add3A_4] : memref<425984xi32, #tpu.memory_space<hbm>> -> memref<1024xi32, #tpu.memory_space<hbm>>
      tpu.wait_dma2 semaphore(%run_scoped3A : memref<!tpu.dma_semaphore, #tpu.memory_space<semaphore_mem>>) src(%dma_wait3A_108 : memref<1024xi32, #tpu.memory_space<hbm>>) dst(%arg5 : memref<1024xi32, #tpu.memory_space<vmem>>)
      tpu.yield
    }) : () -> ()
    %dma_start3A = arith.constant 0 : i32
    %dma_start3A_5 = arith.constant 0 : i32
    %dma_start3A_6 = tpu.memref_slice %arg2[%dma_start3A, %dma_start3A_5] : memref<2600000x16xf32, #tpu.memory_space<hbm>> -> memref<2600000x16xf32, #tpu.memory_space<hbm>>
    tpu.enqueue_indirect_dma source(%dma_start3A_6 : memref<2600000x16xf32, #tpu.memory_space<hbm>>) target(%arg6 : memref<1024x16xf32, #tpu.memory_space<vmem>>) offsets(%arg5 : memref<1024xi32, #tpu.memory_space<vmem>>) semaphore(%arg7 : memref<!tpu.dma_semaphore, #tpu.memory_space<semaphore_mem>>)
    %dma_wait3A = arith.constant 0 : i32
    %dma_wait3A_7 = arith.constant 0 : i32
    %dma_wait3A_8 = tpu.memref_slice %arg2[%dma_wait3A, %dma_wait3A_7] : memref<2600000x16xf32, #tpu.memory_space<hbm>> -> memref<2600000x16xf32, #tpu.memory_space<hbm>>
    tpu.wait_indirect_dma semaphore(%arg7 : memref<!tpu.dma_semaphore, #tpu.memory_space<semaphore_mem>>) src(%dma_wait3A_8 : memref<2600000x16xf32, #tpu.memory_space<hbm>>) dst(%arg6 : memref<1024x16xf32, #tpu.memory_space<vmem>>)
    "tpu.region"() ({
      %run_scoped3A = tpu.sem_alloc : memref<!tpu.dma_semaphore, #tpu.memory_space<semaphore_mem>>
      %dma_start3A_105 = arith.constant 0 : i32
      %dma_start3A_106 = tpu.memref_slice %arg4[%add3A_4, %dma_start3A_105] : memref<425984x16xf32, #tpu.memory_space<hbm>> -> memref<1024x16xf32, #tpu.memory_space<hbm>>
      %dma_start3A_107 = arith.constant 0 : i32
      %dma_start3A_108 = tpu.memref_slice %arg4[%add3A_4, %dma_start3A_107] : memref<425984x16xf32, #tpu.memory_space<hbm>> -> memref<1024x16xf32, #tpu.memory_space<hbm>>
      tpu.enqueue_dma source(%arg6 : memref<1024x16xf32, #tpu.memory_space<vmem>>) target(%dma_start3A_108 : memref<1024x16xf32, #tpu.memory_space<hbm>>) target_semaphore(%run_scoped3A : memref<!tpu.dma_semaphore, #tpu.memory_space<semaphore_mem>>)
      %dma_wait3A_109 = arith.constant 0 : i32
      %dma_wait3A_110 = tpu.memref_slice %arg4[%add3A_4, %dma_wait3A_109] : memref<425984x16xf32, #tpu.memory_space<hbm>> -> memref<1024x16xf32, #tpu.memory_space<hbm>>
      %dma_wait3A_111 = arith.constant 0 : i32
      %dma_wait3A_112 = tpu.memref_slice %arg4[%add3A_4, %dma_wait3A_111] : memref<425984x16xf32, #tpu.memory_space<hbm>> -> memref<1024x16xf32, #tpu.memory_space<hbm>>
      tpu.wait_dma2 semaphore(%run_scoped3A : memref<!tpu.dma_semaphore, #tpu.memory_space<semaphore_mem>>) src(%arg6 : memref<1024x16xf32, #tpu.memory_space<vmem>>) dst(%dma_wait3A_112 : memref<1024x16xf32, #tpu.memory_space<hbm>>)
      tpu.yield
    }) : () -> ()
    %add3A_9 = arith.constant 1024 : i32
    %add3A_10 = arith.addi %mul3A_2, %add3A_9 : i32
    "tpu.region"() ({
      %run_scoped3A = tpu.sem_alloc : memref<!tpu.dma_semaphore, #tpu.memory_space<semaphore_mem>>
      %dma_start3A_105 = tpu.memref_slice %arg3[%add3A_10] : memref<425984xi32, #tpu.memory_space<hbm>> -> memref<1024xi32, #tpu.memory_space<hbm>>
      %dma_start3A_106 = tpu.memref_slice %arg3[%add3A_10] : memref<425984xi32, #tpu.memory_space<hbm>> -> memref<1024xi32, #tpu.memory_space<hbm>>
      tpu.enqueue_dma source(%dma_start3A_106 : memref<1024xi32, #tpu.memory_space<hbm>>) target(%arg5 : memref<1024xi32, #tpu.memory_space<vmem>>) target_semaphore(%run_scoped3A : memref<!tpu.dma_semaphore, #tpu.memory_space<semaphore_mem>>)
      %dma_wait3A_107 = tpu.memref_slice %arg3[%add3A_10] : memref<425984xi32, #tpu.memory_space<hbm>> -> memref<1024xi32, #tpu.memory_space<hbm>>
      %dma_wait3A_108 = tpu.memref_slice %arg3[%add3A_10] : memref<425984xi32, #tpu.memory_space<hbm>> -> memref<1024xi32, #tpu.memory_space<hbm>>
      tpu.wait_dma2 semaphore(%run_scoped3A : memref<!tpu.dma_semaphore, #tpu.memory_space<semaphore_mem>>) src(%dma_wait3A_108 : memref<1024xi32, #tpu.memory_space<hbm>>) dst(%arg5 : memref<1024xi32, #tpu.memory_space<vmem>>)
      tpu.yield
    }) : () -> ()
    %dma_start3A_11 = arith.constant 0 : i32
    %dma_start3A_12 = arith.constant 0 : i32
    %dma_start3A_13 = tpu.memref_slice %arg2[%dma_start3A_11, %dma_start3A_12] : memref<2600000x16xf32, #tpu.memory_space<hbm>> -> memref<2600000x16xf32, #tpu.memory_space<hbm>>
    tpu.enqueue_indirect_dma source(%dma_start3A_13 : memref<2600000x16xf32, #tpu.memory_space<hbm>>) target(%arg6 : memref<1024x16xf32, #tpu.memory_space<vmem>>) offsets(%arg5 : memref<1024xi32, #tpu.memory_space<vmem>>) semaphore(%arg7 : memref<!tpu.dma_semaphore, #tpu.memory_space<semaphore_mem>>)
    %dma_wait3A_14 = arith.constant 0 : i32
    %dma_wait3A_15 = arith.constant 0 : i32
    %dma_wait3A_16 = tpu.memref_slice %arg2[%dma_wait3A_14, %dma_wait3A_15] : memref<2600000x16xf32, #tpu.memory_space<hbm>> -> memref<2600000x16xf32, #tpu.memory_space<hbm>>
    tpu.wait_indirect_dma semaphore(%arg7 : memref<!tpu.dma_semaphore, #tpu.memory_space<semaphore_mem>>) src(%dma_wait3A_16 : memref<2600000x16xf32, #tpu.memory_space<hbm>>) dst(%arg6 : memref<1024x16xf32, #tpu.memory_space<vmem>>)
    "tpu.region"() ({
      %run_scoped3A = tpu.sem_alloc : memref<!tpu.dma_semaphore, #tpu.memory_space<semaphore_mem>>
      %dma_start3A_105 = arith.constant 0 : i32
      %dma_start3A_106 = tpu.memref_slice %arg4[%add3A_10, %dma_start3A_105] : memref<425984x16xf32, #tpu.memory_space<hbm>> -> memref<1024x16xf32, #tpu.memory_space<hbm>>
      %dma_start3A_107 = arith.constant 0 : i32
      %dma_start3A_108 = tpu.memref_slice %arg4[%add3A_10, %dma_start3A_107] : memref<425984x16xf32, #tpu.memory_space<hbm>> -> memref<1024x16xf32, #tpu.memory_space<hbm>>
      tpu.enqueue_dma source(%arg6 : memref<1024x16xf32, #tpu.memory_space<vmem>>) target(%dma_start3A_108 : memref<1024x16xf32, #tpu.memory_space<hbm>>) target_semaphore(%run_scoped3A : memref<!tpu.dma_semaphore, #tpu.memory_space<semaphore_mem>>)
      %dma_wait3A_109 = arith.constant 0 : i32
      %dma_wait3A_110 = tpu.memref_slice %arg4[%add3A_10, %dma_wait3A_109] : memref<425984x16xf32, #tpu.memory_space<hbm>> -> memref<1024x16xf32, #tpu.memory_space<hbm>>
      %dma_wait3A_111 = arith.constant 0 : i32
      %dma_wait3A_112 = tpu.memref_slice %arg4[%add3A_10, %dma_wait3A_111] : memref<425984x16xf32, #tpu.memory_space<hbm>> -> memref<1024x16xf32, #tpu.memory_space<hbm>>
      tpu.wait_dma2 semaphore(%run_scoped3A : memref<!tpu.dma_semaphore, #tpu.memory_space<semaphore_mem>>) src(%arg6 : memref<1024x16xf32, #tpu.memory_space<vmem>>) dst(%dma_wait3A_112 : memref<1024x16xf32, #tpu.memory_space<hbm>>)
      tpu.yield
    }) : () -> ()
    %add3A_17 = arith.constant 2048 : i32
    %add3A_18 = arith.addi %mul3A_2, %add3A_17 : i32
    "tpu.region"() ({
      %run_scoped3A = tpu.sem_alloc : memref<!tpu.dma_semaphore, #tpu.memory_space<semaphore_mem>>
      %dma_start3A_105 = tpu.memref_slice %arg3[%add3A_18] : memref<425984xi32, #tpu.memory_space<hbm>> -> memref<1024xi32, #tpu.memory_space<hbm>>
      %dma_start3A_106 = tpu.memref_slice %arg3[%add3A_18] : memref<425984xi32, #tpu.memory_space<hbm>> -> memref<1024xi32, #tpu.memory_space<hbm>>
      tpu.enqueue_dma source(%dma_start3A_106 : memref<1024xi32, #tpu.memory_space<hbm>>) target(%arg5 : memref<1024xi32, #tpu.memory_space<vmem>>) target_semaphore(%run_scoped3A : memref<!tpu.dma_semaphore, #tpu.memory_space<semaphore_mem>>)
      %dma_wait3A_107 = tpu.memref_slice %arg3[%add3A_18] : memref<425984xi32, #tpu.memory_space<hbm>> -> memref<1024xi32, #tpu.memory_space<hbm>>
      %dma_wait3A_108 = tpu.memref_slice %arg3[%add3A_18] : memref<425984xi32, #tpu.memory_space<hbm>> -> memref<1024xi32, #tpu.memory_space<hbm>>
      tpu.wait_dma2 semaphore(%run_scoped3A : memref<!tpu.dma_semaphore, #tpu.memory_space<semaphore_mem>>) src(%dma_wait3A_108 : memref<1024xi32, #tpu.memory_space<hbm>>) dst(%arg5 : memref<1024xi32, #tpu.memory_space<vmem>>)
      tpu.yield
    }) : () -> ()
    %dma_start3A_19 = arith.constant 0 : i32
    %dma_start3A_20 = arith.constant 0 : i32
    %dma_start3A_21 = tpu.memref_slice %arg2[%dma_start3A_19, %dma_start3A_20] : memref<2600000x16xf32, #tpu.memory_space<hbm>> -> memref<2600000x16xf32, #tpu.memory_space<hbm>>
    tpu.enqueue_indirect_dma source(%dma_start3A_21 : memref<2600000x16xf32, #tpu.memory_space<hbm>>) target(%arg6 : memref<1024x16xf32, #tpu.memory_space<vmem>>) offsets(%arg5 : memref<1024xi32, #tpu.memory_space<vmem>>) semaphore(%arg7 : memref<!tpu.dma_semaphore, #tpu.memory_space<semaphore_mem>>)
    %dma_wait3A_22 = arith.constant 0 : i32
    %dma_wait3A_23 = arith.constant 0 : i32
    %dma_wait3A_24 = tpu.memref_slice %arg2[%dma_wait3A_22, %dma_wait3A_23] : memref<2600000x16xf32, #tpu.memory_space<hbm>> -> memref<2600000x16xf32, #tpu.memory_space<hbm>>
    tpu.wait_indirect_dma semaphore(%arg7 : memref<!tpu.dma_semaphore, #tpu.memory_space<semaphore_mem>>) src(%dma_wait3A_24 : memref<2600000x16xf32, #tpu.memory_space<hbm>>) dst(%arg6 : memref<1024x16xf32, #tpu.memory_space<vmem>>)
    "tpu.region"() ({
      %run_scoped3A = tpu.sem_alloc : memref<!tpu.dma_semaphore, #tpu.memory_space<semaphore_mem>>
      %dma_start3A_105 = arith.constant 0 : i32
      %dma_start3A_106 = tpu.memref_slice %arg4[%add3A_18, %dma_start3A_105] : memref<425984x16xf32, #tpu.memory_space<hbm>> -> memref<1024x16xf32, #tpu.memory_space<hbm>>
      %dma_start3A_107 = arith.constant 0 : i32
      %dma_start3A_108 = tpu.memref_slice %arg4[%add3A_18, %dma_start3A_107] : memref<425984x16xf32, #tpu.memory_space<hbm>> -> memref<1024x16xf32, #tpu.memory_space<hbm>>
      tpu.enqueue_dma source(%arg6 : memref<1024x16xf32, #tpu.memory_space<vmem>>) target(%dma_start3A_108 : memref<1024x16xf32, #tpu.memory_space<hbm>>) target_semaphore(%run_scoped3A : memref<!tpu.dma_semaphore, #tpu.memory_space<semaphore_mem>>)
      %dma_wait3A_109 = arith.constant 0 : i32
      %dma_wait3A_110 = tpu.memref_slice %arg4[%add3A_18, %dma_wait3A_109] : memref<425984x16xf32, #tpu.memory_space<hbm>> -> memref<1024x16xf32, #tpu.memory_space<hbm>>
      %dma_wait3A_111 = arith.constant 0 : i32
      %dma_wait3A_112 = tpu.memref_slice %arg4[%add3A_18, %dma_wait3A_111] : memref<425984x16xf32, #tpu.memory_space<hbm>> -> memref<1024x16xf32, #tpu.memory_space<hbm>>
      tpu.wait_dma2 semaphore(%run_scoped3A : memref<!tpu.dma_semaphore, #tpu.memory_space<semaphore_mem>>) src(%arg6 : memref<1024x16xf32, #tpu.memory_space<vmem>>) dst(%dma_wait3A_112 : memref<1024x16xf32, #tpu.memory_space<hbm>>)
      tpu.yield
    }) : () -> ()
    %add3A_25 = arith.constant 3072 : i32
    %add3A_26 = arith.addi %mul3A_2, %add3A_25 : i32
    "tpu.region"() ({
      %run_scoped3A = tpu.sem_alloc : memref<!tpu.dma_semaphore, #tpu.memory_space<semaphore_mem>>
      %dma_start3A_105 = tpu.memref_slice %arg3[%add3A_26] : memref<425984xi32, #tpu.memory_space<hbm>> -> memref<1024xi32, #tpu.memory_space<hbm>>
      %dma_start3A_106 = tpu.memref_slice %arg3[%add3A_26] : memref<425984xi32, #tpu.memory_space<hbm>> -> memref<1024xi32, #tpu.memory_space<hbm>>
      tpu.enqueue_dma source(%dma_start3A_106 : memref<1024xi32, #tpu.memory_space<hbm>>) target(%arg5 : memref<1024xi32, #tpu.memory_space<vmem>>) target_semaphore(%run_scoped3A : memref<!tpu.dma_semaphore, #tpu.memory_space<semaphore_mem>>)
      %dma_wait3A_107 = tpu.memref_slice %arg3[%add3A_26] : memref<425984xi32, #tpu.memory_space<hbm>> -> memref<1024xi32, #tpu.memory_space<hbm>>
      %dma_wait3A_108 = tpu.memref_slice %arg3[%add3A_26] : memref<425984xi32, #tpu.memory_space<hbm>> -> memref<1024xi32, #tpu.memory_space<hbm>>
      tpu.wait_dma2 semaphore(%run_scoped3A : memref<!tpu.dma_semaphore, #tpu.memory_space<semaphore_mem>>) src(%dma_wait3A_108 : memref<1024xi32, #tpu.memory_space<hbm>>) dst(%arg5 : memref<1024xi32, #tpu.memory_space<vmem>>)
      tpu.yield
    }) : () -> ()
    %dma_start3A_27 = arith.constant 0 : i32
    %dma_start3A_28 = arith.constant 0 : i32
    %dma_start3A_29 = tpu.memref_slice %arg2[%dma_start3A_27, %dma_start3A_28] : memref<2600000x16xf32, #tpu.memory_space<hbm>> -> memref<2600000x16xf32, #tpu.memory_space<hbm>>
    tpu.enqueue_indirect_dma source(%dma_start3A_29 : memref<2600000x16xf32, #tpu.memory_space<hbm>>) target(%arg6 : memref<1024x16xf32, #tpu.memory_space<vmem>>) offsets(%arg5 : memref<1024xi32, #tpu.memory_space<vmem>>) semaphore(%arg7 : memref<!tpu.dma_semaphore, #tpu.memory_space<semaphore_mem>>)
    %dma_wait3A_30 = arith.constant 0 : i32
    %dma_wait3A_31 = arith.constant 0 : i32
    %dma_wait3A_32 = tpu.memref_slice %arg2[%dma_wait3A_30, %dma_wait3A_31] : memref<2600000x16xf32, #tpu.memory_space<hbm>> -> memref<2600000x16xf32, #tpu.memory_space<hbm>>
    tpu.wait_indirect_dma semaphore(%arg7 : memref<!tpu.dma_semaphore, #tpu.memory_space<semaphore_mem>>) src(%dma_wait3A_32 : memref<2600000x16xf32, #tpu.memory_space<hbm>>) dst(%arg6 : memref<1024x16xf32, #tpu.memory_space<vmem>>)
    "tpu.region"() ({
      %run_scoped3A = tpu.sem_alloc : memref<!tpu.dma_semaphore, #tpu.memory_space<semaphore_mem>>
      %dma_start3A_105 = arith.constant 0 : i32
      %dma_start3A_106 = tpu.memref_slice %arg4[%add3A_26, %dma_start3A_105] : memref<425984x16xf32, #tpu.memory_space<hbm>> -> memref<1024x16xf32, #tpu.memory_space<hbm>>
      %dma_start3A_107 = arith.constant 0 : i32
      %dma_start3A_108 = tpu.memref_slice %arg4[%add3A_26, %dma_start3A_107] : memref<425984x16xf32, #tpu.memory_space<hbm>> -> memref<1024x16xf32, #tpu.memory_space<hbm>>
      tpu.enqueue_dma source(%arg6 : memref<1024x16xf32, #tpu.memory_space<vmem>>) target(%dma_start3A_108 : memref<1024x16xf32, #tpu.memory_space<hbm>>) target_semaphore(%run_scoped3A : memref<!tpu.dma_semaphore, #tpu.memory_space<semaphore_mem>>)
      %dma_wait3A_109 = arith.constant 0 : i32
      %dma_wait3A_110 = tpu.memref_slice %arg4[%add3A_26, %dma_wait3A_109] : memref<425984x16xf32, #tpu.memory_space<hbm>> -> memref<1024x16xf32, #tpu.memory_space<hbm>>
      %dma_wait3A_111 = arith.constant 0 : i32
      %dma_wait3A_112 = tpu.memref_slice %arg4[%add3A_26, %dma_wait3A_111] : memref<425984x16xf32, #tpu.memory_space<hbm>> -> memref<1024x16xf32, #tpu.memory_space<hbm>>
      tpu.wait_dma2 semaphore(%run_scoped3A : memref<!tpu.dma_semaphore, #tpu.memory_space<semaphore_mem>>) src(%arg6 : memref<1024x16xf32, #tpu.memory_space<vmem>>) dst(%dma_wait3A_112 : memref<1024x16xf32, #tpu.memory_space<hbm>>)
      tpu.yield
    }) : () -> ()
    %add3A_33 = arith.constant 4096 : i32
    %add3A_34 = arith.addi %mul3A_2, %add3A_33 : i32
    "tpu.region"() ({
      %run_scoped3A = tpu.sem_alloc : memref<!tpu.dma_semaphore, #tpu.memory_space<semaphore_mem>>
      %dma_start3A_105 = tpu.memref_slice %arg3[%add3A_34] : memref<425984xi32, #tpu.memory_space<hbm>> -> memref<1024xi32, #tpu.memory_space<hbm>>
      %dma_start3A_106 = tpu.memref_slice %arg3[%add3A_34] : memref<425984xi32, #tpu.memory_space<hbm>> -> memref<1024xi32, #tpu.memory_space<hbm>>
      tpu.enqueue_dma source(%dma_start3A_106 : memref<1024xi32, #tpu.memory_space<hbm>>) target(%arg5 : memref<1024xi32, #tpu.memory_space<vmem>>) target_semaphore(%run_scoped3A : memref<!tpu.dma_semaphore, #tpu.memory_space<semaphore_mem>>)
      %dma_wait3A_107 = tpu.memref_slice %arg3[%add3A_34] : memref<425984xi32, #tpu.memory_space<hbm>> -> memref<1024xi32, #tpu.memory_space<hbm>>
      %dma_wait3A_108 = tpu.memref_slice %arg3[%add3A_34] : memref<425984xi32, #tpu.memory_space<hbm>> -> memref<1024xi32, #tpu.memory_space<hbm>>
      tpu.wait_dma2 semaphore(%run_scoped3A : memref<!tpu.dma_semaphore, #tpu.memory_space<semaphore_mem>>) src(%dma_wait3A_108 : memref<1024xi32, #tpu.memory_space<hbm>>) dst(%arg5 : memref<1024xi32, #tpu.memory_space<vmem>>)
      tpu.yield
    }) : () -> ()
    %dma_start3A_35 = arith.constant 0 : i32
    %dma_start3A_36 = arith.constant 0 : i32
    %dma_start3A_37 = tpu.memref_slice %arg2[%dma_start3A_35, %dma_start3A_36] : memref<2600000x16xf32, #tpu.memory_space<hbm>> -> memref<2600000x16xf32, #tpu.memory_space<hbm>>
    tpu.enqueue_indirect_dma source(%dma_start3A_37 : memref<2600000x16xf32, #tpu.memory_space<hbm>>) target(%arg6 : memref<1024x16xf32, #tpu.memory_space<vmem>>) offsets(%arg5 : memref<1024xi32, #tpu.memory_space<vmem>>) semaphore(%arg7 : memref<!tpu.dma_semaphore, #tpu.memory_space<semaphore_mem>>)
    %dma_wait3A_38 = arith.constant 0 : i32
    %dma_wait3A_39 = arith.constant 0 : i32
    %dma_wait3A_40 = tpu.memref_slice %arg2[%dma_wait3A_38, %dma_wait3A_39] : memref<2600000x16xf32, #tpu.memory_space<hbm>> -> memref<2600000x16xf32, #tpu.memory_space<hbm>>
    tpu.wait_indirect_dma semaphore(%arg7 : memref<!tpu.dma_semaphore, #tpu.memory_space<semaphore_mem>>) src(%dma_wait3A_40 : memref<2600000x16xf32, #tpu.memory_space<hbm>>) dst(%arg6 : memref<1024x16xf32, #tpu.memory_space<vmem>>)
    "tpu.region"() ({
      %run_scoped3A = tpu.sem_alloc : memref<!tpu.dma_semaphore, #tpu.memory_space<semaphore_mem>>
      %dma_start3A_105 = arith.constant 0 : i32
      %dma_start3A_106 = tpu.memref_slice %arg4[%add3A_34, %dma_start3A_105] : memref<425984x16xf32, #tpu.memory_space<hbm>> -> memref<1024x16xf32, #tpu.memory_space<hbm>>
      %dma_start3A_107 = arith.constant 0 : i32
      %dma_start3A_108 = tpu.memref_slice %arg4[%add3A_34, %dma_start3A_107] : memref<425984x16xf32, #tpu.memory_space<hbm>> -> memref<1024x16xf32, #tpu.memory_space<hbm>>
      tpu.enqueue_dma source(%arg6 : memref<1024x16xf32, #tpu.memory_space<vmem>>) target(%dma_start3A_108 : memref<1024x16xf32, #tpu.memory_space<hbm>>) target_semaphore(%run_scoped3A : memref<!tpu.dma_semaphore, #tpu.memory_space<semaphore_mem>>)
      %dma_wait3A_109 = arith.constant 0 : i32
      %dma_wait3A_110 = tpu.memref_slice %arg4[%add3A_34, %dma_wait3A_109] : memref<425984x16xf32, #tpu.memory_space<hbm>> -> memref<1024x16xf32, #tpu.memory_space<hbm>>
      %dma_wait3A_111 = arith.constant 0 : i32
      %dma_wait3A_112 = tpu.memref_slice %arg4[%add3A_34, %dma_wait3A_111] : memref<425984x16xf32, #tpu.memory_space<hbm>> -> memref<1024x16xf32, #tpu.memory_space<hbm>>
      tpu.wait_dma2 semaphore(%run_scoped3A : memref<!tpu.dma_semaphore, #tpu.memory_space<semaphore_mem>>) src(%arg6 : memref<1024x16xf32, #tpu.memory_space<vmem>>) dst(%dma_wait3A_112 : memref<1024x16xf32, #tpu.memory_space<hbm>>)
      tpu.yield
    }) : () -> ()
    %add3A_41 = arith.constant 5120 : i32
    %add3A_42 = arith.addi %mul3A_2, %add3A_41 : i32
    "tpu.region"() ({
      %run_scoped3A = tpu.sem_alloc : memref<!tpu.dma_semaphore, #tpu.memory_space<semaphore_mem>>
      %dma_start3A_105 = tpu.memref_slice %arg3[%add3A_42] : memref<425984xi32, #tpu.memory_space<hbm>> -> memref<1024xi32, #tpu.memory_space<hbm>>
      %dma_start3A_106 = tpu.memref_slice %arg3[%add3A_42] : memref<425984xi32, #tpu.memory_space<hbm>> -> memref<1024xi32, #tpu.memory_space<hbm>>
      tpu.enqueue_dma source(%dma_start3A_106 : memref<1024xi32, #tpu.memory_space<hbm>>) target(%arg5 : memref<1024xi32, #tpu.memory_space<vmem>>) target_semaphore(%run_scoped3A : memref<!tpu.dma_semaphore, #tpu.memory_space<semaphore_mem>>)
      %dma_wait3A_107 = tpu.memref_slice %arg3[%add3A_42] : memref<425984xi32, #tpu.memory_space<hbm>> -> memref<1024xi32, #tpu.memory_space<hbm>>
      %dma_wait3A_108 = tpu.memref_slice %arg3[%add3A_42] : memref<425984xi32, #tpu.memory_space<hbm>> -> memref<1024xi32, #tpu.memory_space<hbm>>
      tpu.wait_dma2 semaphore(%run_scoped3A : memref<!tpu.dma_semaphore, #tpu.memory_space<semaphore_mem>>) src(%dma_wait3A_108 : memref<1024xi32, #tpu.memory_space<hbm>>) dst(%arg5 : memref<1024xi32, #tpu.memory_space<vmem>>)
      tpu.yield
    }) : () -> ()
    %dma_start3A_43 = arith.constant 0 : i32
    %dma_start3A_44 = arith.constant 0 : i32
    %dma_start3A_45 = tpu.memref_slice %arg2[%dma_start3A_43, %dma_start3A_44] : memref<2600000x16xf32, #tpu.memory_space<hbm>> -> memref<2600000x16xf32, #tpu.memory_space<hbm>>
    tpu.enqueue_indirect_dma source(%dma_start3A_45 : memref<2600000x16xf32, #tpu.memory_space<hbm>>) target(%arg6 : memref<1024x16xf32, #tpu.memory_space<vmem>>) offsets(%arg5 : memref<1024xi32, #tpu.memory_space<vmem>>) semaphore(%arg7 : memref<!tpu.dma_semaphore, #tpu.memory_space<semaphore_mem>>)
    %dma_wait3A_46 = arith.constant 0 : i32
    %dma_wait3A_47 = arith.constant 0 : i32
    %dma_wait3A_48 = tpu.memref_slice %arg2[%dma_wait3A_46, %dma_wait3A_47] : memref<2600000x16xf32, #tpu.memory_space<hbm>> -> memref<2600000x16xf32, #tpu.memory_space<hbm>>
    tpu.wait_indirect_dma semaphore(%arg7 : memref<!tpu.dma_semaphore, #tpu.memory_space<semaphore_mem>>) src(%dma_wait3A_48 : memref<2600000x16xf32, #tpu.memory_space<hbm>>) dst(%arg6 : memref<1024x16xf32, #tpu.memory_space<vmem>>)
    "tpu.region"() ({
      %run_scoped3A = tpu.sem_alloc : memref<!tpu.dma_semaphore, #tpu.memory_space<semaphore_mem>>
      %dma_start3A_105 = arith.constant 0 : i32
      %dma_start3A_106 = tpu.memref_slice %arg4[%add3A_42, %dma_start3A_105] : memref<425984x16xf32, #tpu.memory_space<hbm>> -> memref<1024x16xf32, #tpu.memory_space<hbm>>
      %dma_start3A_107 = arith.constant 0 : i32
      %dma_start3A_108 = tpu.memref_slice %arg4[%add3A_42, %dma_start3A_107] : memref<425984x16xf32, #tpu.memory_space<hbm>> -> memref<1024x16xf32, #tpu.memory_space<hbm>>
      tpu.enqueue_dma source(%arg6 : memref<1024x16xf32, #tpu.memory_space<vmem>>) target(%dma_start3A_108 : memref<1024x16xf32, #tpu.memory_space<hbm>>) target_semaphore(%run_scoped3A : memref<!tpu.dma_semaphore, #tpu.memory_space<semaphore_mem>>)
      %dma_wait3A_109 = arith.constant 0 : i32
      %dma_wait3A_110 = tpu.memref_slice %arg4[%add3A_42, %dma_wait3A_109] : memref<425984x16xf32, #tpu.memory_space<hbm>> -> memref<1024x16xf32, #tpu.memory_space<hbm>>
      %dma_wait3A_111 = arith.constant 0 : i32
      %dma_wait3A_112 = tpu.memref_slice %arg4[%add3A_42, %dma_wait3A_111] : memref<425984x16xf32, #tpu.memory_space<hbm>> -> memref<1024x16xf32, #tpu.memory_space<hbm>>
      tpu.wait_dma2 semaphore(%run_scoped3A : memref<!tpu.dma_semaphore, #tpu.memory_space<semaphore_mem>>) src(%arg6 : memref<1024x16xf32, #tpu.memory_space<vmem>>) dst(%dma_wait3A_112 : memref<1024x16xf32, #tpu.memory_space<hbm>>)
      tpu.yield
    }) : () -> ()
    %add3A_49 = arith.constant 6144 : i32
    %add3A_50 = arith.addi %mul3A_2, %add3A_49 : i32
    "tpu.region"() ({
      %run_scoped3A = tpu.sem_alloc : memref<!tpu.dma_semaphore, #tpu.memory_space<semaphore_mem>>
      %dma_start3A_105 = tpu.memref_slice %arg3[%add3A_50] : memref<425984xi32, #tpu.memory_space<hbm>> -> memref<1024xi32, #tpu.memory_space<hbm>>
      %dma_start3A_106 = tpu.memref_slice %arg3[%add3A_50] : memref<425984xi32, #tpu.memory_space<hbm>> -> memref<1024xi32, #tpu.memory_space<hbm>>
      tpu.enqueue_dma source(%dma_start3A_106 : memref<1024xi32, #tpu.memory_space<hbm>>) target(%arg5 : memref<1024xi32, #tpu.memory_space<vmem>>) target_semaphore(%run_scoped3A : memref<!tpu.dma_semaphore, #tpu.memory_space<semaphore_mem>>)
      %dma_wait3A_107 = tpu.memref_slice %arg3[%add3A_50] : memref<425984xi32, #tpu.memory_space<hbm>> -> memref<1024xi32, #tpu.memory_space<hbm>>
      %dma_wait3A_108 = tpu.memref_slice %arg3[%add3A_50] : memref<425984xi32, #tpu.memory_space<hbm>> -> memref<1024xi32, #tpu.memory_space<hbm>>
      tpu.wait_dma2 semaphore(%run_scoped3A : memref<!tpu.dma_semaphore, #tpu.memory_space<semaphore_mem>>) src(%dma_wait3A_108 : memref<1024xi32, #tpu.memory_space<hbm>>) dst(%arg5 : memref<1024xi32, #tpu.memory_space<vmem>>)
      tpu.yield
    }) : () -> ()
    %dma_start3A_51 = arith.constant 0 : i32
    %dma_start3A_52 = arith.constant 0 : i32
    %dma_start3A_53 = tpu.memref_slice %arg2[%dma_start3A_51, %dma_start3A_52] : memref<2600000x16xf32, #tpu.memory_space<hbm>> -> memref<2600000x16xf32, #tpu.memory_space<hbm>>
    tpu.enqueue_indirect_dma source(%dma_start3A_53 : memref<2600000x16xf32, #tpu.memory_space<hbm>>) target(%arg6 : memref<1024x16xf32, #tpu.memory_space<vmem>>) offsets(%arg5 : memref<1024xi32, #tpu.memory_space<vmem>>) semaphore(%arg7 : memref<!tpu.dma_semaphore, #tpu.memory_space<semaphore_mem>>)
    %dma_wait3A_54 = arith.constant 0 : i32
    %dma_wait3A_55 = arith.constant 0 : i32
    %dma_wait3A_56 = tpu.memref_slice %arg2[%dma_wait3A_54, %dma_wait3A_55] : memref<2600000x16xf32, #tpu.memory_space<hbm>> -> memref<2600000x16xf32, #tpu.memory_space<hbm>>
    tpu.wait_indirect_dma semaphore(%arg7 : memref<!tpu.dma_semaphore, #tpu.memory_space<semaphore_mem>>) src(%dma_wait3A_56 : memref<2600000x16xf32, #tpu.memory_space<hbm>>) dst(%arg6 : memref<1024x16xf32, #tpu.memory_space<vmem>>)
    "tpu.region"() ({
      %run_scoped3A = tpu.sem_alloc : memref<!tpu.dma_semaphore, #tpu.memory_space<semaphore_mem>>
      %dma_start3A_105 = arith.constant 0 : i32
      %dma_start3A_106 = tpu.memref_slice %arg4[%add3A_50, %dma_start3A_105] : memref<425984x16xf32, #tpu.memory_space<hbm>> -> memref<1024x16xf32, #tpu.memory_space<hbm>>
      %dma_start3A_107 = arith.constant 0 : i32
      %dma_start3A_108 = tpu.memref_slice %arg4[%add3A_50, %dma_start3A_107] : memref<425984x16xf32, #tpu.memory_space<hbm>> -> memref<1024x16xf32, #tpu.memory_space<hbm>>
      tpu.enqueue_dma source(%arg6 : memref<1024x16xf32, #tpu.memory_space<vmem>>) target(%dma_start3A_108 : memref<1024x16xf32, #tpu.memory_space<hbm>>) target_semaphore(%run_scoped3A : memref<!tpu.dma_semaphore, #tpu.memory_space<semaphore_mem>>)
      %dma_wait3A_109 = arith.constant 0 : i32
      %dma_wait3A_110 = tpu.memref_slice %arg4[%add3A_50, %dma_wait3A_109] : memref<425984x16xf32, #tpu.memory_space<hbm>> -> memref<1024x16xf32, #tpu.memory_space<hbm>>
      %dma_wait3A_111 = arith.constant 0 : i32
      %dma_wait3A_112 = tpu.memref_slice %arg4[%add3A_50, %dma_wait3A_111] : memref<425984x16xf32, #tpu.memory_space<hbm>> -> memref<1024x16xf32, #tpu.memory_space<hbm>>
      tpu.wait_dma2 semaphore(%run_scoped3A : memref<!tpu.dma_semaphore, #tpu.memory_space<semaphore_mem>>) src(%arg6 : memref<1024x16xf32, #tpu.memory_space<vmem>>) dst(%dma_wait3A_112 : memref<1024x16xf32, #tpu.memory_space<hbm>>)
      tpu.yield
    }) : () -> ()
    %add3A_57 = arith.constant 7168 : i32
    %add3A_58 = arith.addi %mul3A_2, %add3A_57 : i32
    "tpu.region"() ({
      %run_scoped3A = tpu.sem_alloc : memref<!tpu.dma_semaphore, #tpu.memory_space<semaphore_mem>>
      %dma_start3A_105 = tpu.memref_slice %arg3[%add3A_58] : memref<425984xi32, #tpu.memory_space<hbm>> -> memref<1024xi32, #tpu.memory_space<hbm>>
      %dma_start3A_106 = tpu.memref_slice %arg3[%add3A_58] : memref<425984xi32, #tpu.memory_space<hbm>> -> memref<1024xi32, #tpu.memory_space<hbm>>
      tpu.enqueue_dma source(%dma_start3A_106 : memref<1024xi32, #tpu.memory_space<hbm>>) target(%arg5 : memref<1024xi32, #tpu.memory_space<vmem>>) target_semaphore(%run_scoped3A : memref<!tpu.dma_semaphore, #tpu.memory_space<semaphore_mem>>)
      %dma_wait3A_107 = tpu.memref_slice %arg3[%add3A_58] : memref<425984xi32, #tpu.memory_space<hbm>> -> memref<1024xi32, #tpu.memory_space<hbm>>
      %dma_wait3A_108 = tpu.memref_slice %arg3[%add3A_58] : memref<425984xi32, #tpu.memory_space<hbm>> -> memref<1024xi32, #tpu.memory_space<hbm>>
      tpu.wait_dma2 semaphore(%run_scoped3A : memref<!tpu.dma_semaphore, #tpu.memory_space<semaphore_mem>>) src(%dma_wait3A_108 : memref<1024xi32, #tpu.memory_space<hbm>>) dst(%arg5 : memref<1024xi32, #tpu.memory_space<vmem>>)
      tpu.yield
    }) : () -> ()
    %dma_start3A_59 = arith.constant 0 : i32
    %dma_start3A_60 = arith.constant 0 : i32
    %dma_start3A_61 = tpu.memref_slice %arg2[%dma_start3A_59, %dma_start3A_60] : memref<2600000x16xf32, #tpu.memory_space<hbm>> -> memref<2600000x16xf32, #tpu.memory_space<hbm>>
    tpu.enqueue_indirect_dma source(%dma_start3A_61 : memref<2600000x16xf32, #tpu.memory_space<hbm>>) target(%arg6 : memref<1024x16xf32, #tpu.memory_space<vmem>>) offsets(%arg5 : memref<1024xi32, #tpu.memory_space<vmem>>) semaphore(%arg7 : memref<!tpu.dma_semaphore, #tpu.memory_space<semaphore_mem>>)
    %dma_wait3A_62 = arith.constant 0 : i32
    %dma_wait3A_63 = arith.constant 0 : i32
    %dma_wait3A_64 = tpu.memref_slice %arg2[%dma_wait3A_62, %dma_wait3A_63] : memref<2600000x16xf32, #tpu.memory_space<hbm>> -> memref<2600000x16xf32, #tpu.memory_space<hbm>>
    tpu.wait_indirect_dma semaphore(%arg7 : memref<!tpu.dma_semaphore, #tpu.memory_space<semaphore_mem>>) src(%dma_wait3A_64 : memref<2600000x16xf32, #tpu.memory_space<hbm>>) dst(%arg6 : memref<1024x16xf32, #tpu.memory_space<vmem>>)
    "tpu.region"() ({
      %run_scoped3A = tpu.sem_alloc : memref<!tpu.dma_semaphore, #tpu.memory_space<semaphore_mem>>
      %dma_start3A_105 = arith.constant 0 : i32
      %dma_start3A_106 = tpu.memref_slice %arg4[%add3A_58, %dma_start3A_105] : memref<425984x16xf32, #tpu.memory_space<hbm>> -> memref<1024x16xf32, #tpu.memory_space<hbm>>
      %dma_start3A_107 = arith.constant 0 : i32
      %dma_start3A_108 = tpu.memref_slice %arg4[%add3A_58, %dma_start3A_107] : memref<425984x16xf32, #tpu.memory_space<hbm>> -> memref<1024x16xf32, #tpu.memory_space<hbm>>
      tpu.enqueue_dma source(%arg6 : memref<1024x16xf32, #tpu.memory_space<vmem>>) target(%dma_start3A_108 : memref<1024x16xf32, #tpu.memory_space<hbm>>) target_semaphore(%run_scoped3A : memref<!tpu.dma_semaphore, #tpu.memory_space<semaphore_mem>>)
      %dma_wait3A_109 = arith.constant 0 : i32
      %dma_wait3A_110 = tpu.memref_slice %arg4[%add3A_58, %dma_wait3A_109] : memref<425984x16xf32, #tpu.memory_space<hbm>> -> memref<1024x16xf32, #tpu.memory_space<hbm>>
      %dma_wait3A_111 = arith.constant 0 : i32
      %dma_wait3A_112 = tpu.memref_slice %arg4[%add3A_58, %dma_wait3A_111] : memref<425984x16xf32, #tpu.memory_space<hbm>> -> memref<1024x16xf32, #tpu.memory_space<hbm>>
      tpu.wait_dma2 semaphore(%run_scoped3A : memref<!tpu.dma_semaphore, #tpu.memory_space<semaphore_mem>>) src(%arg6 : memref<1024x16xf32, #tpu.memory_space<vmem>>) dst(%dma_wait3A_112 : memref<1024x16xf32, #tpu.memory_space<hbm>>)
      tpu.yield
    }) : () -> ()
    %add3A_65 = arith.constant 8192 : i32
    %add3A_66 = arith.addi %mul3A_2, %add3A_65 : i32
    "tpu.region"() ({
      %run_scoped3A = tpu.sem_alloc : memref<!tpu.dma_semaphore, #tpu.memory_space<semaphore_mem>>
      %dma_start3A_105 = tpu.memref_slice %arg3[%add3A_66] : memref<425984xi32, #tpu.memory_space<hbm>> -> memref<1024xi32, #tpu.memory_space<hbm>>
      %dma_start3A_106 = tpu.memref_slice %arg3[%add3A_66] : memref<425984xi32, #tpu.memory_space<hbm>> -> memref<1024xi32, #tpu.memory_space<hbm>>
      tpu.enqueue_dma source(%dma_start3A_106 : memref<1024xi32, #tpu.memory_space<hbm>>) target(%arg5 : memref<1024xi32, #tpu.memory_space<vmem>>) target_semaphore(%run_scoped3A : memref<!tpu.dma_semaphore, #tpu.memory_space<semaphore_mem>>)
      %dma_wait3A_107 = tpu.memref_slice %arg3[%add3A_66] : memref<425984xi32, #tpu.memory_space<hbm>> -> memref<1024xi32, #tpu.memory_space<hbm>>
      %dma_wait3A_108 = tpu.memref_slice %arg3[%add3A_66] : memref<425984xi32, #tpu.memory_space<hbm>> -> memref<1024xi32, #tpu.memory_space<hbm>>
      tpu.wait_dma2 semaphore(%run_scoped3A : memref<!tpu.dma_semaphore, #tpu.memory_space<semaphore_mem>>) src(%dma_wait3A_108 : memref<1024xi32, #tpu.memory_space<hbm>>) dst(%arg5 : memref<1024xi32, #tpu.memory_space<vmem>>)
      tpu.yield
    }) : () -> ()
    %dma_start3A_67 = arith.constant 0 : i32
    %dma_start3A_68 = arith.constant 0 : i32
    %dma_start3A_69 = tpu.memref_slice %arg2[%dma_start3A_67, %dma_start3A_68] : memref<2600000x16xf32, #tpu.memory_space<hbm>> -> memref<2600000x16xf32, #tpu.memory_space<hbm>>
    tpu.enqueue_indirect_dma source(%dma_start3A_69 : memref<2600000x16xf32, #tpu.memory_space<hbm>>) target(%arg6 : memref<1024x16xf32, #tpu.memory_space<vmem>>) offsets(%arg5 : memref<1024xi32, #tpu.memory_space<vmem>>) semaphore(%arg7 : memref<!tpu.dma_semaphore, #tpu.memory_space<semaphore_mem>>)
    %dma_wait3A_70 = arith.constant 0 : i32
    %dma_wait3A_71 = arith.constant 0 : i32
    %dma_wait3A_72 = tpu.memref_slice %arg2[%dma_wait3A_70, %dma_wait3A_71] : memref<2600000x16xf32, #tpu.memory_space<hbm>> -> memref<2600000x16xf32, #tpu.memory_space<hbm>>
    tpu.wait_indirect_dma semaphore(%arg7 : memref<!tpu.dma_semaphore, #tpu.memory_space<semaphore_mem>>) src(%dma_wait3A_72 : memref<2600000x16xf32, #tpu.memory_space<hbm>>) dst(%arg6 : memref<1024x16xf32, #tpu.memory_space<vmem>>)
    "tpu.region"() ({
      %run_scoped3A = tpu.sem_alloc : memref<!tpu.dma_semaphore, #tpu.memory_space<semaphore_mem>>
      %dma_start3A_105 = arith.constant 0 : i32
      %dma_start3A_106 = tpu.memref_slice %arg4[%add3A_66, %dma_start3A_105] : memref<425984x16xf32, #tpu.memory_space<hbm>> -> memref<1024x16xf32, #tpu.memory_space<hbm>>
      %dma_start3A_107 = arith.constant 0 : i32
      %dma_start3A_108 = tpu.memref_slice %arg4[%add3A_66, %dma_start3A_107] : memref<425984x16xf32, #tpu.memory_space<hbm>> -> memref<1024x16xf32, #tpu.memory_space<hbm>>
      tpu.enqueue_dma source(%arg6 : memref<1024x16xf32, #tpu.memory_space<vmem>>) target(%dma_start3A_108 : memref<1024x16xf32, #tpu.memory_space<hbm>>) target_semaphore(%run_scoped3A : memref<!tpu.dma_semaphore, #tpu.memory_space<semaphore_mem>>)
      %dma_wait3A_109 = arith.constant 0 : i32
      %dma_wait3A_110 = tpu.memref_slice %arg4[%add3A_66, %dma_wait3A_109] : memref<425984x16xf32, #tpu.memory_space<hbm>> -> memref<1024x16xf32, #tpu.memory_space<hbm>>
      %dma_wait3A_111 = arith.constant 0 : i32
      %dma_wait3A_112 = tpu.memref_slice %arg4[%add3A_66, %dma_wait3A_111] : memref<425984x16xf32, #tpu.memory_space<hbm>> -> memref<1024x16xf32, #tpu.memory_space<hbm>>
      tpu.wait_dma2 semaphore(%run_scoped3A : memref<!tpu.dma_semaphore, #tpu.memory_space<semaphore_mem>>) src(%arg6 : memref<1024x16xf32, #tpu.memory_space<vmem>>) dst(%dma_wait3A_112 : memref<1024x16xf32, #tpu.memory_space<hbm>>)
      tpu.yield
    }) : () -> ()
    %add3A_73 = arith.constant 9216 : i32
    %add3A_74 = arith.addi %mul3A_2, %add3A_73 : i32
    "tpu.region"() ({
      %run_scoped3A = tpu.sem_alloc : memref<!tpu.dma_semaphore, #tpu.memory_space<semaphore_mem>>
      %dma_start3A_105 = tpu.memref_slice %arg3[%add3A_74] : memref<425984xi32, #tpu.memory_space<hbm>> -> memref<1024xi32, #tpu.memory_space<hbm>>
      %dma_start3A_106 = tpu.memref_slice %arg3[%add3A_74] : memref<425984xi32, #tpu.memory_space<hbm>> -> memref<1024xi32, #tpu.memory_space<hbm>>
      tpu.enqueue_dma source(%dma_start3A_106 : memref<1024xi32, #tpu.memory_space<hbm>>) target(%arg5 : memref<1024xi32, #tpu.memory_space<vmem>>) target_semaphore(%run_scoped3A : memref<!tpu.dma_semaphore, #tpu.memory_space<semaphore_mem>>)
      %dma_wait3A_107 = tpu.memref_slice %arg3[%add3A_74] : memref<425984xi32, #tpu.memory_space<hbm>> -> memref<1024xi32, #tpu.memory_space<hbm>>
      %dma_wait3A_108 = tpu.memref_slice %arg3[%add3A_74] : memref<425984xi32, #tpu.memory_space<hbm>> -> memref<1024xi32, #tpu.memory_space<hbm>>
      tpu.wait_dma2 semaphore(%run_scoped3A : memref<!tpu.dma_semaphore, #tpu.memory_space<semaphore_mem>>) src(%dma_wait3A_108 : memref<1024xi32, #tpu.memory_space<hbm>>) dst(%arg5 : memref<1024xi32, #tpu.memory_space<vmem>>)
      tpu.yield
    }) : () -> ()
    %dma_start3A_75 = arith.constant 0 : i32
    %dma_start3A_76 = arith.constant 0 : i32
    %dma_start3A_77 = tpu.memref_slice %arg2[%dma_start3A_75, %dma_start3A_76] : memref<2600000x16xf32, #tpu.memory_space<hbm>> -> memref<2600000x16xf32, #tpu.memory_space<hbm>>
    tpu.enqueue_indirect_dma source(%dma_start3A_77 : memref<2600000x16xf32, #tpu.memory_space<hbm>>) target(%arg6 : memref<1024x16xf32, #tpu.memory_space<vmem>>) offsets(%arg5 : memref<1024xi32, #tpu.memory_space<vmem>>) semaphore(%arg7 : memref<!tpu.dma_semaphore, #tpu.memory_space<semaphore_mem>>)
    %dma_wait3A_78 = arith.constant 0 : i32
    %dma_wait3A_79 = arith.constant 0 : i32
    %dma_wait3A_80 = tpu.memref_slice %arg2[%dma_wait3A_78, %dma_wait3A_79] : memref<2600000x16xf32, #tpu.memory_space<hbm>> -> memref<2600000x16xf32, #tpu.memory_space<hbm>>
    tpu.wait_indirect_dma semaphore(%arg7 : memref<!tpu.dma_semaphore, #tpu.memory_space<semaphore_mem>>) src(%dma_wait3A_80 : memref<2600000x16xf32, #tpu.memory_space<hbm>>) dst(%arg6 : memref<1024x16xf32, #tpu.memory_space<vmem>>)
    "tpu.region"() ({
      %run_scoped3A = tpu.sem_alloc : memref<!tpu.dma_semaphore, #tpu.memory_space<semaphore_mem>>
      %dma_start3A_105 = arith.constant 0 : i32
      %dma_start3A_106 = tpu.memref_slice %arg4[%add3A_74, %dma_start3A_105] : memref<425984x16xf32, #tpu.memory_space<hbm>> -> memref<1024x16xf32, #tpu.memory_space<hbm>>
      %dma_start3A_107 = arith.constant 0 : i32
      %dma_start3A_108 = tpu.memref_slice %arg4[%add3A_74, %dma_start3A_107] : memref<425984x16xf32, #tpu.memory_space<hbm>> -> memref<1024x16xf32, #tpu.memory_space<hbm>>
      tpu.enqueue_dma source(%arg6 : memref<1024x16xf32, #tpu.memory_space<vmem>>) target(%dma_start3A_108 : memref<1024x16xf32, #tpu.memory_space<hbm>>) target_semaphore(%run_scoped3A : memref<!tpu.dma_semaphore, #tpu.memory_space<semaphore_mem>>)
      %dma_wait3A_109 = arith.constant 0 : i32
      %dma_wait3A_110 = tpu.memref_slice %arg4[%add3A_74, %dma_wait3A_109] : memref<425984x16xf32, #tpu.memory_space<hbm>> -> memref<1024x16xf32, #tpu.memory_space<hbm>>
      %dma_wait3A_111 = arith.constant 0 : i32
      %dma_wait3A_112 = tpu.memref_slice %arg4[%add3A_74, %dma_wait3A_111] : memref<425984x16xf32, #tpu.memory_space<hbm>> -> memref<1024x16xf32, #tpu.memory_space<hbm>>
      tpu.wait_dma2 semaphore(%run_scoped3A : memref<!tpu.dma_semaphore, #tpu.memory_space<semaphore_mem>>) src(%arg6 : memref<1024x16xf32, #tpu.memory_space<vmem>>) dst(%dma_wait3A_112 : memref<1024x16xf32, #tpu.memory_space<hbm>>)
      tpu.yield
    }) : () -> ()
    %add3A_81 = arith.constant 10240 : i32
    %add3A_82 = arith.addi %mul3A_2, %add3A_81 : i32
    "tpu.region"() ({
      %run_scoped3A = tpu.sem_alloc : memref<!tpu.dma_semaphore, #tpu.memory_space<semaphore_mem>>
      %dma_start3A_105 = tpu.memref_slice %arg3[%add3A_82] : memref<425984xi32, #tpu.memory_space<hbm>> -> memref<1024xi32, #tpu.memory_space<hbm>>
      %dma_start3A_106 = tpu.memref_slice %arg3[%add3A_82] : memref<425984xi32, #tpu.memory_space<hbm>> -> memref<1024xi32, #tpu.memory_space<hbm>>
      tpu.enqueue_dma source(%dma_start3A_106 : memref<1024xi32, #tpu.memory_space<hbm>>) target(%arg5 : memref<1024xi32, #tpu.memory_space<vmem>>) target_semaphore(%run_scoped3A : memref<!tpu.dma_semaphore, #tpu.memory_space<semaphore_mem>>)
      %dma_wait3A_107 = tpu.memref_slice %arg3[%add3A_82] : memref<425984xi32, #tpu.memory_space<hbm>> -> memref<1024xi32, #tpu.memory_space<hbm>>
      %dma_wait3A_108 = tpu.memref_slice %arg3[%add3A_82] : memref<425984xi32, #tpu.memory_space<hbm>> -> memref<1024xi32, #tpu.memory_space<hbm>>
      tpu.wait_dma2 semaphore(%run_scoped3A : memref<!tpu.dma_semaphore, #tpu.memory_space<semaphore_mem>>) src(%dma_wait3A_108 : memref<1024xi32, #tpu.memory_space<hbm>>) dst(%arg5 : memref<1024xi32, #tpu.memory_space<vmem>>)
      tpu.yield
    }) : () -> ()
    %dma_start3A_83 = arith.constant 0 : i32
    %dma_start3A_84 = arith.constant 0 : i32
    %dma_start3A_85 = tpu.memref_slice %arg2[%dma_start3A_83, %dma_start3A_84] : memref<2600000x16xf32, #tpu.memory_space<hbm>> -> memref<2600000x16xf32, #tpu.memory_space<hbm>>
    tpu.enqueue_indirect_dma source(%dma_start3A_85 : memref<2600000x16xf32, #tpu.memory_space<hbm>>) target(%arg6 : memref<1024x16xf32, #tpu.memory_space<vmem>>) offsets(%arg5 : memref<1024xi32, #tpu.memory_space<vmem>>) semaphore(%arg7 : memref<!tpu.dma_semaphore, #tpu.memory_space<semaphore_mem>>)
    %dma_wait3A_86 = arith.constant 0 : i32
    %dma_wait3A_87 = arith.constant 0 : i32
    %dma_wait3A_88 = tpu.memref_slice %arg2[%dma_wait3A_86, %dma_wait3A_87] : memref<2600000x16xf32, #tpu.memory_space<hbm>> -> memref<2600000x16xf32, #tpu.memory_space<hbm>>
    tpu.wait_indirect_dma semaphore(%arg7 : memref<!tpu.dma_semaphore, #tpu.memory_space<semaphore_mem>>) src(%dma_wait3A_88 : memref<2600000x16xf32, #tpu.memory_space<hbm>>) dst(%arg6 : memref<1024x16xf32, #tpu.memory_space<vmem>>)
    "tpu.region"() ({
      %run_scoped3A = tpu.sem_alloc : memref<!tpu.dma_semaphore, #tpu.memory_space<semaphore_mem>>
      %dma_start3A_105 = arith.constant 0 : i32
      %dma_start3A_106 = tpu.memref_slice %arg4[%add3A_82, %dma_start3A_105] : memref<425984x16xf32, #tpu.memory_space<hbm>> -> memref<1024x16xf32, #tpu.memory_space<hbm>>
      %dma_start3A_107 = arith.constant 0 : i32
      %dma_start3A_108 = tpu.memref_slice %arg4[%add3A_82, %dma_start3A_107] : memref<425984x16xf32, #tpu.memory_space<hbm>> -> memref<1024x16xf32, #tpu.memory_space<hbm>>
      tpu.enqueue_dma source(%arg6 : memref<1024x16xf32, #tpu.memory_space<vmem>>) target(%dma_start3A_108 : memref<1024x16xf32, #tpu.memory_space<hbm>>) target_semaphore(%run_scoped3A : memref<!tpu.dma_semaphore, #tpu.memory_space<semaphore_mem>>)
      %dma_wait3A_109 = arith.constant 0 : i32
      %dma_wait3A_110 = tpu.memref_slice %arg4[%add3A_82, %dma_wait3A_109] : memref<425984x16xf32, #tpu.memory_space<hbm>> -> memref<1024x16xf32, #tpu.memory_space<hbm>>
      %dma_wait3A_111 = arith.constant 0 : i32
      %dma_wait3A_112 = tpu.memref_slice %arg4[%add3A_82, %dma_wait3A_111] : memref<425984x16xf32, #tpu.memory_space<hbm>> -> memref<1024x16xf32, #tpu.memory_space<hbm>>
      tpu.wait_dma2 semaphore(%run_scoped3A : memref<!tpu.dma_semaphore, #tpu.memory_space<semaphore_mem>>) src(%arg6 : memref<1024x16xf32, #tpu.memory_space<vmem>>) dst(%dma_wait3A_112 : memref<1024x16xf32, #tpu.memory_space<hbm>>)
      tpu.yield
    }) : () -> ()
    %add3A_89 = arith.constant 11264 : i32
    %add3A_90 = arith.addi %mul3A_2, %add3A_89 : i32
    "tpu.region"() ({
      %run_scoped3A = tpu.sem_alloc : memref<!tpu.dma_semaphore, #tpu.memory_space<semaphore_mem>>
      %dma_start3A_105 = tpu.memref_slice %arg3[%add3A_90] : memref<425984xi32, #tpu.memory_space<hbm>> -> memref<1024xi32, #tpu.memory_space<hbm>>
      %dma_start3A_106 = tpu.memref_slice %arg3[%add3A_90] : memref<425984xi32, #tpu.memory_space<hbm>> -> memref<1024xi32, #tpu.memory_space<hbm>>
      tpu.enqueue_dma source(%dma_start3A_106 : memref<1024xi32, #tpu.memory_space<hbm>>) target(%arg5 : memref<1024xi32, #tpu.memory_space<vmem>>) target_semaphore(%run_scoped3A : memref<!tpu.dma_semaphore, #tpu.memory_space<semaphore_mem>>)
      %dma_wait3A_107 = tpu.memref_slice %arg3[%add3A_90] : memref<425984xi32, #tpu.memory_space<hbm>> -> memref<1024xi32, #tpu.memory_space<hbm>>
      %dma_wait3A_108 = tpu.memref_slice %arg3[%add3A_90] : memref<425984xi32, #tpu.memory_space<hbm>> -> memref<1024xi32, #tpu.memory_space<hbm>>
      tpu.wait_dma2 semaphore(%run_scoped3A : memref<!tpu.dma_semaphore, #tpu.memory_space<semaphore_mem>>) src(%dma_wait3A_108 : memref<1024xi32, #tpu.memory_space<hbm>>) dst(%arg5 : memref<1024xi32, #tpu.memory_space<vmem>>)
      tpu.yield
    }) : () -> ()
    %dma_start3A_91 = arith.constant 0 : i32
    %dma_start3A_92 = arith.constant 0 : i32
    %dma_start3A_93 = tpu.memref_slice %arg2[%dma_start3A_91, %dma_start3A_92] : memref<2600000x16xf32, #tpu.memory_space<hbm>> -> memref<2600000x16xf32, #tpu.memory_space<hbm>>
    tpu.enqueue_indirect_dma source(%dma_start3A_93 : memref<2600000x16xf32, #tpu.memory_space<hbm>>) target(%arg6 : memref<1024x16xf32, #tpu.memory_space<vmem>>) offsets(%arg5 : memref<1024xi32, #tpu.memory_space<vmem>>) semaphore(%arg7 : memref<!tpu.dma_semaphore, #tpu.memory_space<semaphore_mem>>)
    %dma_wait3A_94 = arith.constant 0 : i32
    %dma_wait3A_95 = arith.constant 0 : i32
    %dma_wait3A_96 = tpu.memref_slice %arg2[%dma_wait3A_94, %dma_wait3A_95] : memref<2600000x16xf32, #tpu.memory_space<hbm>> -> memref<2600000x16xf32, #tpu.memory_space<hbm>>
    tpu.wait_indirect_dma semaphore(%arg7 : memref<!tpu.dma_semaphore, #tpu.memory_space<semaphore_mem>>) src(%dma_wait3A_96 : memref<2600000x16xf32, #tpu.memory_space<hbm>>) dst(%arg6 : memref<1024x16xf32, #tpu.memory_space<vmem>>)
    "tpu.region"() ({
      %run_scoped3A = tpu.sem_alloc : memref<!tpu.dma_semaphore, #tpu.memory_space<semaphore_mem>>
      %dma_start3A_105 = arith.constant 0 : i32
      %dma_start3A_106 = tpu.memref_slice %arg4[%add3A_90, %dma_start3A_105] : memref<425984x16xf32, #tpu.memory_space<hbm>> -> memref<1024x16xf32, #tpu.memory_space<hbm>>
      %dma_start3A_107 = arith.constant 0 : i32
      %dma_start3A_108 = tpu.memref_slice %arg4[%add3A_90, %dma_start3A_107] : memref<425984x16xf32, #tpu.memory_space<hbm>> -> memref<1024x16xf32, #tpu.memory_space<hbm>>
      tpu.enqueue_dma source(%arg6 : memref<1024x16xf32, #tpu.memory_space<vmem>>) target(%dma_start3A_108 : memref<1024x16xf32, #tpu.memory_space<hbm>>) target_semaphore(%run_scoped3A : memref<!tpu.dma_semaphore, #tpu.memory_space<semaphore_mem>>)
      %dma_wait3A_109 = arith.constant 0 : i32
      %dma_wait3A_110 = tpu.memref_slice %arg4[%add3A_90, %dma_wait3A_109] : memref<425984x16xf32, #tpu.memory_space<hbm>> -> memref<1024x16xf32, #tpu.memory_space<hbm>>
      %dma_wait3A_111 = arith.constant 0 : i32
      %dma_wait3A_112 = tpu.memref_slice %arg4[%add3A_90, %dma_wait3A_111] : memref<425984x16xf32, #tpu.memory_space<hbm>> -> memref<1024x16xf32, #tpu.memory_space<hbm>>
      tpu.wait_dma2 semaphore(%run_scoped3A : memref<!tpu.dma_semaphore, #tpu.memory_space<semaphore_mem>>) src(%arg6 : memref<1024x16xf32, #tpu.memory_space<vmem>>) dst(%dma_wait3A_112 : memref<1024x16xf32, #tpu.memory_space<hbm>>)
      tpu.yield
    }) : () -> ()
    %add3A_97 = arith.constant 12288 : i32
    %add3A_98 = arith.addi %mul3A_2, %add3A_97 : i32
    "tpu.region"() ({
      %run_scoped3A = tpu.sem_alloc : memref<!tpu.dma_semaphore, #tpu.memory_space<semaphore_mem>>
      %dma_start3A_105 = tpu.memref_slice %arg3[%add3A_98] : memref<425984xi32, #tpu.memory_space<hbm>> -> memref<1024xi32, #tpu.memory_space<hbm>>
      %dma_start3A_106 = tpu.memref_slice %arg3[%add3A_98] : memref<425984xi32, #tpu.memory_space<hbm>> -> memref<1024xi32, #tpu.memory_space<hbm>>
      tpu.enqueue_dma source(%dma_start3A_106 : memref<1024xi32, #tpu.memory_space<hbm>>) target(%arg5 : memref<1024xi32, #tpu.memory_space<vmem>>) target_semaphore(%run_scoped3A : memref<!tpu.dma_semaphore, #tpu.memory_space<semaphore_mem>>)
      %dma_wait3A_107 = tpu.memref_slice %arg3[%add3A_98] : memref<425984xi32, #tpu.memory_space<hbm>> -> memref<1024xi32, #tpu.memory_space<hbm>>
      %dma_wait3A_108 = tpu.memref_slice %arg3[%add3A_98] : memref<425984xi32, #tpu.memory_space<hbm>> -> memref<1024xi32, #tpu.memory_space<hbm>>
      tpu.wait_dma2 semaphore(%run_scoped3A : memref<!tpu.dma_semaphore, #tpu.memory_space<semaphore_mem>>) src(%dma_wait3A_108 : memref<1024xi32, #tpu.memory_space<hbm>>) dst(%arg5 : memref<1024xi32, #tpu.memory_space<vmem>>)
      tpu.yield
    }) : () -> ()
    %dma_start3A_99 = arith.constant 0 : i32
    %dma_start3A_100 = arith.constant 0 : i32
    %dma_start3A_101 = tpu.memref_slice %arg2[%dma_start3A_99, %dma_start3A_100] : memref<2600000x16xf32, #tpu.memory_space<hbm>> -> memref<2600000x16xf32, #tpu.memory_space<hbm>>
    tpu.enqueue_indirect_dma source(%dma_start3A_101 : memref<2600000x16xf32, #tpu.memory_space<hbm>>) target(%arg6 : memref<1024x16xf32, #tpu.memory_space<vmem>>) offsets(%arg5 : memref<1024xi32, #tpu.memory_space<vmem>>) semaphore(%arg7 : memref<!tpu.dma_semaphore, #tpu.memory_space<semaphore_mem>>)
    %dma_wait3A_102 = arith.constant 0 : i32
    %dma_wait3A_103 = arith.constant 0 : i32
    %dma_wait3A_104 = tpu.memref_slice %arg2[%dma_wait3A_102, %dma_wait3A_103] : memref<2600000x16xf32, #tpu.memory_space<hbm>> -> memref<2600000x16xf32, #tpu.memory_space<hbm>>
    tpu.wait_indirect_dma semaphore(%arg7 : memref<!tpu.dma_semaphore, #tpu.memory_space<semaphore_mem>>) src(%dma_wait3A_104 : memref<2600000x16xf32, #tpu.memory_space<hbm>>) dst(%arg6 : memref<1024x16xf32, #tpu.memory_space<vmem>>)
    "tpu.region"() ({
      %run_scoped3A = tpu.sem_alloc : memref<!tpu.dma_semaphore, #tpu.memory_space<semaphore_mem>>
      %dma_start3A_105 = arith.constant 0 : i32
      %dma_start3A_106 = tpu.memref_slice %arg4[%add3A_98, %dma_start3A_105] : memref<425984x16xf32, #tpu.memory_space<hbm>> -> memref<1024x16xf32, #tpu.memory_space<hbm>>
      %dma_start3A_107 = arith.constant 0 : i32
      %dma_start3A_108 = tpu.memref_slice %arg4[%add3A_98, %dma_start3A_107] : memref<425984x16xf32, #tpu.memory_space<hbm>> -> memref<1024x16xf32, #tpu.memory_space<hbm>>
      tpu.enqueue_dma source(%arg6 : memref<1024x16xf32, #tpu.memory_space<vmem>>) target(%dma_start3A_108 : memref<1024x16xf32, #tpu.memory_space<hbm>>) target_semaphore(%run_scoped3A : memref<!tpu.dma_semaphore, #tpu.memory_space<semaphore_mem>>)
      %dma_wait3A_109 = arith.constant 0 : i32
      %dma_wait3A_110 = tpu.memref_slice %arg4[%add3A_98, %dma_wait3A_109] : memref<425984x16xf32, #tpu.memory_space<hbm>> -> memref<1024x16xf32, #tpu.memory_space<hbm>>
      %dma_wait3A_111 = arith.constant 0 : i32
      %dma_wait3A_112 = tpu.memref_slice %arg4[%add3A_98, %dma_wait3A_111] : memref<425984x16xf32, #tpu.memory_space<hbm>> -> memref<1024x16xf32, #tpu.memory_space<hbm>>
      tpu.wait_dma2 semaphore(%run_scoped3A : memref<!tpu.dma_semaphore, #tpu.memory_space<semaphore_mem>>) src(%arg6 : memref<1024x16xf32, #tpu.memory_space<vmem>>) dst(%dma_wait3A_112 : memref<1024x16xf32, #tpu.memory_space<hbm>>)
      tpu.yield
    }) : () -> ()
    return
  }
}

module attributes {stable_mosaic.version = 14 : i64} {
  func.func @_tr_body(%arg0: i32, %arg1: memref<1x16x100000xf32, #tpu.memory_space<vmem>>, %arg2: memref<325000x128xf32, #tpu.memory_space<any>>, %arg3: memref<128x12500xf32, #tpu.memory_space<vmem>>, %arg4: memref<25000x128xf32, #tpu.memory_space<vmem>>, %arg5: memref<!tpu.dma_semaphore, #tpu.memory_space<semaphore_mem>>) attributes {dimension_semantics = [#tpu.dimension_semantics<arbitrary>], iteration_bounds = array<i64: 26>, scalar_prefetch = 0 : i64, scratch_operands = 3 : i64, tpu.core_type = #tpu.core_type<tc>, window_params = [{transform_indices = @transform_0, window_bounds = array<i64: 1, 16, 100000>}, {}]} {
    %get3A = arith.constant 0 : index
    %get3A_0 = arith.constant 0 : index
    %get3A_1 = arith.constant 0 : index
    %get3A_2 = vector.load %arg1[%get3A, %get3A_0, %get3A_1] : memref<1x16x100000xf32, #tpu.memory_space<vmem>>, vector<1x16x12500xf32>
    %get3A_3 = vector.shape_cast %get3A_2 : vector<1x16x12500xf32> to vector<16x12500xf32>
    %swap3A = arith.constant 0 : index
    %swap3A_4 = arith.constant 0 : index
    %swap3A_5 = vector.load %arg3[%swap3A, %swap3A_4] : memref<128x12500xf32, #tpu.memory_space<vmem>>, vector<16x12500xf32>
    tpu.vector_store %arg3[%swap3A, %swap3A_4], %get3A_3 {strides = array<i32>} : memref<128x12500xf32, #tpu.memory_space<vmem>>, vector<16x12500xf32>,
    %get3A_6 = arith.constant 0 : index
    %get3A_7 = arith.constant 0 : index
    %get3A_8 = arith.constant 12500 : index
    %get3A_9 = vector.load %arg1[%get3A_6, %get3A_7, %get3A_8] : memref<1x16x100000xf32, #tpu.memory_space<vmem>>, vector<1x16x12500xf32>
    %get3A_10 = vector.shape_cast %get3A_9 : vector<1x16x12500xf32> to vector<16x12500xf32>
    %swap3A_11 = arith.constant 16 : index
    %swap3A_12 = arith.constant 0 : index
    %swap3A_13 = vector.load %arg3[%swap3A_11, %swap3A_12] : memref<128x12500xf32, #tpu.memory_space<vmem>>, vector<16x12500xf32>
    tpu.vector_store %arg3[%swap3A_11, %swap3A_12], %get3A_10 {strides = array<i32>} : memref<128x12500xf32, #tpu.memory_space<vmem>>, vector<16x12500xf32>,
    %get3A_14 = arith.constant 0 : index
    %get3A_15 = arith.constant 0 : index
    %get3A_16 = arith.constant 25000 : index
    %get3A_17 = vector.load %arg1[%get3A_14, %get3A_15, %get3A_16] : memref<1x16x100000xf32, #tpu.memory_space<vmem>>, vector<1x16x12500xf32>
    %get3A_18 = vector.shape_cast %get3A_17 : vector<1x16x12500xf32> to vector<16x12500xf32>
    %swap3A_19 = arith.constant 32 : index
    %swap3A_20 = arith.constant 0 : index
    %swap3A_21 = vector.load %arg3[%swap3A_19, %swap3A_20] : memref<128x12500xf32, #tpu.memory_space<vmem>>, vector<16x12500xf32>
    tpu.vector_store %arg3[%swap3A_19, %swap3A_20], %get3A_18 {strides = array<i32>} : memref<128x12500xf32, #tpu.memory_space<vmem>>, vector<16x12500xf32>,
    %get3A_22 = arith.constant 0 : index
    %get3A_23 = arith.constant 0 : index
    %get3A_24 = arith.constant 37500 : index
    %get3A_25 = vector.load %arg1[%get3A_22, %get3A_23, %get3A_24] : memref<1x16x100000xf32, #tpu.memory_space<vmem>>, vector<1x16x12500xf32>
    %get3A_26 = vector.shape_cast %get3A_25 : vector<1x16x12500xf32> to vector<16x12500xf32>
    %swap3A_27 = arith.constant 48 : index
    %swap3A_28 = arith.constant 0 : index
    %swap3A_29 = vector.load %arg3[%swap3A_27, %swap3A_28] : memref<128x12500xf32, #tpu.memory_space<vmem>>, vector<16x12500xf32>
    tpu.vector_store %arg3[%swap3A_27, %swap3A_28], %get3A_26 {strides = array<i32>} : memref<128x12500xf32, #tpu.memory_space<vmem>>, vector<16x12500xf32>,
    %get3A_30 = arith.constant 0 : index
    %get3A_31 = arith.constant 0 : index
    %get3A_32 = arith.constant 50000 : index
    %get3A_33 = vector.load %arg1[%get3A_30, %get3A_31, %get3A_32] : memref<1x16x100000xf32, #tpu.memory_space<vmem>>, vector<1x16x12500xf32>
    %get3A_34 = vector.shape_cast %get3A_33 : vector<1x16x12500xf32> to vector<16x12500xf32>
    %swap3A_35 = arith.constant 64 : index
    %swap3A_36 = arith.constant 0 : index
    %swap3A_37 = vector.load %arg3[%swap3A_35, %swap3A_36] : memref<128x12500xf32, #tpu.memory_space<vmem>>, vector<16x12500xf32>
    tpu.vector_store %arg3[%swap3A_35, %swap3A_36], %get3A_34 {strides = array<i32>} : memref<128x12500xf32, #tpu.memory_space<vmem>>, vector<16x12500xf32>,
    %get3A_38 = arith.constant 0 : index
    %get3A_39 = arith.constant 0 : index
    %get3A_40 = arith.constant 62500 : index
    %get3A_41 = vector.load %arg1[%get3A_38, %get3A_39, %get3A_40] : memref<1x16x100000xf32, #tpu.memory_space<vmem>>, vector<1x16x12500xf32>
    %get3A_42 = vector.shape_cast %get3A_41 : vector<1x16x12500xf32> to vector<16x12500xf32>
    %swap3A_43 = arith.constant 80 : index
    %swap3A_44 = arith.constant 0 : index
    %swap3A_45 = vector.load %arg3[%swap3A_43, %swap3A_44] : memref<128x12500xf32, #tpu.memory_space<vmem>>, vector<16x12500xf32>
    tpu.vector_store %arg3[%swap3A_43, %swap3A_44], %get3A_42 {strides = array<i32>} : memref<128x12500xf32, #tpu.memory_space<vmem>>, vector<16x12500xf32>,
    %get3A_46 = arith.constant 0 : index
    %get3A_47 = arith.constant 0 : index
    %get3A_48 = arith.constant 75000 : index
    %get3A_49 = vector.load %arg1[%get3A_46, %get3A_47, %get3A_48] : memref<1x16x100000xf32, #tpu.memory_space<vmem>>, vector<1x16x12500xf32>
    %get3A_50 = vector.shape_cast %get3A_49 : vector<1x16x12500xf32> to vector<16x12500xf32>
    %swap3A_51 = arith.constant 96 : index
    %swap3A_52 = arith.constant 0 : index
    %swap3A_53 = vector.load %arg3[%swap3A_51, %swap3A_52] : memref<128x12500xf32, #tpu.memory_space<vmem>>, vector<16x12500xf32>
    tpu.vector_store %arg3[%swap3A_51, %swap3A_52], %get3A_50 {strides = array<i32>} : memref<128x12500xf32, #tpu.memory_space<vmem>>, vector<16x12500xf32>,
    %get3A_54 = arith.constant 0 : index
    %get3A_55 = arith.constant 0 : index
    %get3A_56 = arith.constant 87500 : index
    %get3A_57 = vector.load %arg1[%get3A_54, %get3A_55, %get3A_56] : memref<1x16x100000xf32, #tpu.memory_space<vmem>>, vector<1x16x12500xf32>
    %get3A_58 = vector.shape_cast %get3A_57 : vector<1x16x12500xf32> to vector<16x12500xf32>
    %swap3A_59 = arith.constant 112 : index
    %swap3A_60 = arith.constant 0 : index
    %swap3A_61 = vector.load %arg3[%swap3A_59, %swap3A_60] : memref<128x12500xf32, #tpu.memory_space<vmem>>, vector<16x12500xf32>
    tpu.vector_store %arg3[%swap3A_59, %swap3A_60], %get3A_58 {strides = array<i32>} : memref<128x12500xf32, #tpu.memory_space<vmem>>, vector<16x12500xf32>,
    %rem3A = arith.constant 2 : i32
    %rem3A_62 = arith.remsi %arg0, %rem3A : i32
    %mul3A = arith.constant 12500 : i32
    %mul3A_63 = arith.muli %rem3A_62, %mul3A : i32
    %ge3A = arith.constant 2 : i32
    %ge3A_64 = arith.cmpi sge, %arg0, %ge3A : i32
    %convert_element_type3A = arith.extui %ge3A_64 : i1 to i32
    %cond3A = arith.constant 0 : i32
    %cond3A_65 = arith.cmpi ne, %convert_element_type3A, %cond3A : i32
    scf.if %cond3A_65 {
      %sub3A = arith.constant 2 : i32
      %sub3A_81 = arith.subi %arg0, %sub3A : i32
      %mul3A_82 = arith.constant 12500 : i32
      %mul3A_83 = arith.muli %sub3A_81, %mul3A_82 : i32
      %dma_wait3A = arith.constant 0 : i32
      %dma_wait3A_84 = tpu.memref_slice %arg2[%mul3A_83, %dma_wait3A] : memref<325000x128xf32, #tpu.memory_space<any>> -> memref<12500x128xf32, #tpu.memory_space<any>>
      %dma_wait3A_85 = arith.constant 0 : i32
      %dma_wait3A_86 = tpu.memref_slice %arg4[%mul3A_63, %dma_wait3A_85] : memref<25000x128xf32, #tpu.memory_space<vmem>> -> memref<12500x128xf32, #tpu.memory_space<vmem>>
      tpu.wait_dma2 semaphore(%arg5 : memref<!tpu.dma_semaphore, #tpu.memory_space<semaphore_mem>>) src(%dma_wait3A_86 : memref<12500x128xf32, #tpu.memory_space<vmem>>) dst(%dma_wait3A_84 : memref<12500x128xf32, #tpu.memory_space<any>>)
    } else {
    }
    %get3A_66 = arith.constant 0 : index
    %get3A_67 = arith.constant 0 : index
    %get3A_68 = vector.load %arg3[%get3A_66, %get3A_67] : memref<128x12500xf32, #tpu.memory_space<vmem>>, vector<128x12500xf32>
    %transpose3A = tpu.transpose %get3A_68, [1, 0] : vector<128x12500xf32> -> vector<12500x128xf32>
    %swap3A_69 = arith.index_cast %mul3A_63 : i32 to index
    %swap3A_70 = arith.constant 0 : index
    %swap3A_71 = vector.load %arg4[%swap3A_69, %swap3A_70] : memref<25000x128xf32, #tpu.memory_space<vmem>>, vector<12500x128xf32>
    tpu.vector_store %arg4[%swap3A_69, %swap3A_70], %transpose3A {strides = array<i32>} : memref<25000x128xf32, #tpu.memory_space<vmem>>, vector<12500x128xf32>,
    %mul3A_72 = arith.constant 12500 : i32
    %mul3A_73 = arith.muli %arg0, %mul3A_72 : i32
    %dma_start3A = arith.constant 0 : i32
    %dma_start3A_74 = tpu.memref_slice %arg2[%mul3A_73, %dma_start3A] : memref<325000x128xf32, #tpu.memory_space<any>> -> memref<12500x128xf32, #tpu.memory_space<any>>
    %dma_start3A_75 = arith.constant 0 : i32
    %dma_start3A_76 = tpu.memref_slice %arg4[%mul3A_63, %dma_start3A_75] : memref<25000x128xf32, #tpu.memory_space<vmem>> -> memref<12500x128xf32, #tpu.memory_space<vmem>>
    tpu.enqueue_dma source(%dma_start3A_76 : memref<12500x128xf32, #tpu.memory_space<vmem>>) target(%dma_start3A_74 : memref<12500x128xf32, #tpu.memory_space<any>>) target_semaphore(%arg5 : memref<!tpu.dma_semaphore, #tpu.memory_space<semaphore_mem>>)
    %eq3A = arith.constant 25 : i32
    %eq3A_77 = arith.cmpi eq, %arg0, %eq3A : i32
    %convert_element_type3A_78 = arith.extui %eq3A_77 : i1 to i32
    %cond3A_79 = arith.constant 0 : i32
    %cond3A_80 = arith.cmpi ne, %convert_element_type3A_78, %cond3A_79 : i32
    scf.if %cond3A_80 {
      %mul3A_81 = arith.constant 12500 : i32
      %mul3A_82 = arith.muli %arg0, %mul3A_81 : i32
      %dma_wait3A = arith.constant 0 : i32
      %dma_wait3A_83 = tpu.memref_slice %arg2[%mul3A_82, %dma_wait3A] : memref<325000x128xf32, #tpu.memory_space<any>> -> memref<12500x128xf32, #tpu.memory_space<any>>
      %dma_wait3A_84 = arith.constant 0 : i32
      %dma_wait3A_85 = tpu.memref_slice %arg4[%mul3A_63, %dma_wait3A_84] : memref<25000x128xf32, #tpu.memory_space<vmem>> -> memref<12500x128xf32, #tpu.memory_space<vmem>>
      tpu.wait_dma2 semaphore(%arg5 : memref<!tpu.dma_semaphore, #tpu.memory_space<semaphore_mem>>) src(%dma_wait3A_85 : memref<12500x128xf32, #tpu.memory_space<vmem>>) dst(%dma_wait3A_83 : memref<12500x128xf32, #tpu.memory_space<any>>)
      %mul3A_86 = arith.constant 12500 : i32
      %mul3A_87 = arith.muli %arg0, %mul3A_86 : i32
      %dma_wait3A_88 = arith.constant 0 : i32
      %dma_wait3A_89 = tpu.memref_slice %arg2[%mul3A_87, %dma_wait3A_88] : memref<325000x128xf32, #tpu.memory_space<any>> -> memref<12500x128xf32, #tpu.memory_space<any>>
      %dma_wait3A_90 = arith.constant 0 : i32
      %dma_wait3A_91 = tpu.memref_slice %arg4[%mul3A_63, %dma_wait3A_90] : memref<25000x128xf32, #tpu.memory_space<vmem>> -> memref<12500x128xf32, #tpu.memory_space<vmem>>
      tpu.wait_dma2 semaphore(%arg5 : memref<!tpu.dma_semaphore, #tpu.memory_space<semaphore_mem>>) src(%dma_wait3A_91 : memref<12500x128xf32, #tpu.memory_space<vmem>>) dst(%dma_wait3A_89 : memref<12500x128xf32, #tpu.memory_space<any>>)
    } else {
    }
    return
  }
  func.func @transform_0(%arg0: i32) -> (i32, i32, i32) {
    %c0_i32 = arith.constant 0 : i32
    %c0_i32_0 = arith.constant 0 : i32
    %c0_i32_1 = arith.constant 0 : i32
    return %arg0, %c0_i32, %c0_i32_0 : i32, i32, i32
  }
}

module attributes {stable_mosaic.version = 14 : i64} {
  func.func @_dnn_body(%arg0: i32, %arg1: memref<512x416xf32, #tpu.memory_space<vmem>>, %arg2: memref<512x13xf32, #tpu.memory_space<vmem>>, %arg3: memref<416x16xf32, #tpu.memory_space<vmem>>, %arg4: memref<416x256xf32, #tpu.memory_space<vmem>>, %arg5: memref<13x256xf32, #tpu.memory_space<vmem>>, %arg6: memref<1x256xf32, #tpu.memory_space<vmem>>, %arg7: memref<256x128xf32, #tpu.memory_space<vmem>>, %arg8: memref<1x128xf32, #tpu.memory_space<vmem>>, %arg9: memref<128x64xf32, #tpu.memory_space<vmem>>, %arg10: memref<1x64xf32, #tpu.memory_space<vmem>>, %arg11: memref<64x1xf32, #tpu.memory_space<vmem>>, %arg12: memref<1x1xf32, #tpu.memory_space<vmem>>, %arg13: memref<512x1xf32, #tpu.memory_space<vmem>>) attributes {dimension_semantics = [#tpu.dimension_semantics<parallel>], iteration_bounds = array<i64: 32>, scalar_prefetch = 0 : i64, scratch_operands = 0 : i64, tpu.core_type = #tpu.core_type<tc>, window_params = [{transform_indices = @transform_0, window_bounds = array<i64: 512, 416>}, {transform_indices = @transform_1, window_bounds = array<i64: 512, 13>}, {pipeline_mode = #tpu.pipeline_mode<synchronous>, transform_indices = @transform_2, window_bounds = array<i64: 416, 16>}, {pipeline_mode = #tpu.pipeline_mode<synchronous>, transform_indices = @transform_3, window_bounds = array<i64: 416, 256>}, {pipeline_mode = #tpu.pipeline_mode<synchronous>, transform_indices = @transform_4, window_bounds = array<i64: 13, 256>}, {pipeline_mode = #tpu.pipeline_mode<synchronous>, transform_indices = @transform_5, window_bounds = array<i64: 1, 256>}, {pipeline_mode = #tpu.pipeline_mode<synchronous>, transform_indices = @transform_6, window_bounds = array<i64: 256, 128>}, {pipeline_mode = #tpu.pipeline_mode<synchronous>, transform_indices = @transform_7, window_bounds = array<i64: 1, 128>}, {pipeline_mode = #tpu.pipeline_mode<synchronous>, transform_indices = @transform_8, window_bounds = array<i64: 128, 64>}, {pipeline_mode = #tpu.pipeline_mode<synchronous>, transform_indices = @transform_9, window_bounds = array<i64: 1, 64>}, {pipeline_mode = #tpu.pipeline_mode<synchronous>, transform_indices = @transform_10, window_bounds = array<i64: 64, 1>}, {pipeline_mode = #tpu.pipeline_mode<synchronous>, transform_indices = @transform_11, window_bounds = array<i64: 1, 1>}, {transform_indices = @transform_12, window_bounds = array<i64: 512, 1>}]} {
    %get3A = arith.constant 0 : index
    %get3A_0 = arith.constant 0 : index
    %get3A_1 = vector.load %arg1[%get3A, %get3A_0] : memref<512x416xf32, #tpu.memory_space<vmem>>, vector<512x416xf32>
    %get3A_2 = arith.constant 0 : index
    %get3A_3 = arith.constant 0 : index
    %get3A_4 = vector.load %arg2[%get3A_2, %get3A_3] : memref<512x13xf32, #tpu.memory_space<vmem>>, vector<512x13xf32>
    %get3A_5 = arith.constant 0 : index
    %get3A_6 = arith.constant 0 : index
    %get3A_7 = vector.load %arg3[%get3A_5, %get3A_6] : memref<416x16xf32, #tpu.memory_space<vmem>>, vector<416x16xf32>
    %dot_general3A = arith.constant dense<0.000000e+00> : vector<512x16xf32>
    %dot_general3A_8 = tpu.matmul %get3A_1, %get3A_7, %dot_general3A {dimension_numbers = #tpu.dot_dimension_numbers<[1], [0], [0], [1], [0, 0, 1, 1], [], []>, transpose_lhs_hint = false} : vector<512x416xf32>, vector<416x16xf32>, vector<512x16xf32> -> vector<512x16xf32>
    %mul3A = arith.mulf %dot_general3A_8, %dot_general3A_8 : vector<512x16xf32>
    %reduce_sum3A = arith.constant dense<0.000000e+00> : vector<512xf32>
    %reduce_sum3A_9 = vector.multi_reduction <add>, %mul3A, %reduce_sum3A [1] : vector<512x16xf32> to vector<512xf32>
    %broadcast_in_dim3A = vector.shape_cast %reduce_sum3A_9 : vector<512xf32> to vector<512x1xf32>
    %mul3A_10 = arith.mulf %get3A_1, %get3A_1 : vector<512x416xf32>
    %reduce_sum3A_11 = arith.constant dense<0.000000e+00> : vector<512xf32>
    %reduce_sum3A_12 = vector.multi_reduction <add>, %mul3A_10, %reduce_sum3A_11 [1] : vector<512x416xf32> to vector<512xf32>
    %broadcast_in_dim3A_13 = vector.shape_cast %reduce_sum3A_12 : vector<512xf32> to vector<512x1xf32>
    %sub3A = arith.subf %broadcast_in_dim3A, %broadcast_in_dim3A_13 : vector<512x1xf32>
    %mul3A_14 = arith.constant 5.000000e-01 : f32
    %mul3A_15 = vector.broadcast %mul3A_14 : f32 to vector<512x1xf32>
    %mul3A_16 = arith.mulf %mul3A_15, %sub3A : vector<512x1xf32>
    %get3A_17 = arith.constant 0 : index
    %get3A_18 = arith.constant 0 : index
    %get3A_19 = vector.load %arg4[%get3A_17, %get3A_18] : memref<416x256xf32, #tpu.memory_space<vmem>>, vector<416x256xf32>
    %dot_general3A_20 = arith.constant dense<0.000000e+00> : vector<512x256xf32>
    %dot_general3A_21 = tpu.matmul %get3A_1, %get3A_19, %dot_general3A_20 {dimension_numbers = #tpu.dot_dimension_numbers<[1], [0], [0], [1], [0, 0, 1, 1], [], []>, transpose_lhs_hint = false} : vector<512x416xf32>, vector<416x256xf32>, vector<512x256xf32> -> vector<512x256xf32>
    %get3A_22 = arith.constant 0 : index
    %get3A_23 = arith.constant 0 : index
    %get3A_24 = vector.load %arg5[%get3A_22, %get3A_23] : memref<13x256xf32, #tpu.memory_space<vmem>>, vector<13x256xf32>
    %dot_general3A_25 = arith.constant dense<0.000000e+00> : vector<512x256xf32>
    %dot_general3A_26 = tpu.matmul %get3A_4, %get3A_24, %dot_general3A_25 {dimension_numbers = #tpu.dot_dimension_numbers<[1], [0], [0], [1], [0, 0, 1, 1], [], []>, transpose_lhs_hint = false} : vector<512x13xf32>, vector<13x256xf32>, vector<512x256xf32> -> vector<512x256xf32>
    %add3A = arith.addf %dot_general3A_21, %dot_general3A_26 : vector<512x256xf32>
    %get3A_27 = arith.constant 0 : index
    %get3A_28 = arith.constant 0 : index
    %get3A_29 = vector.load %arg6[%get3A_27, %get3A_28] : memref<1x256xf32, #tpu.memory_space<vmem>>, vector<1x256xf32>
    %add3A_30 = vector.broadcast %get3A_29 : vector<1x256xf32> to vector<512x256xf32>
    %add3A_31 = arith.addf %add3A, %add3A_30 : vector<512x256xf32>
    %max3A = arith.constant 0.000000e+00 : f32
    %max3A_32 = vector.broadcast %max3A : f32 to vector<512x256xf32>
    %max3A_33 = arith.maximumf %add3A_31, %max3A_32 : vector<512x256xf32>
    %get3A_34 = arith.constant 0 : index
    %get3A_35 = arith.constant 0 : index
    %get3A_36 = vector.load %arg7[%get3A_34, %get3A_35] : memref<256x128xf32, #tpu.memory_space<vmem>>, vector<256x128xf32>
    %dot_general3A_37 = arith.constant dense<0.000000e+00> : vector<512x128xf32>
    %dot_general3A_38 = tpu.matmul %max3A_33, %get3A_36, %dot_general3A_37 {dimension_numbers = #tpu.dot_dimension_numbers<[1], [0], [0], [1], [0, 0, 1, 1], [], []>, transpose_lhs_hint = false} : vector<512x256xf32>, vector<256x128xf32>, vector<512x128xf32> -> vector<512x128xf32>
    %get3A_39 = arith.constant 0 : index
    %get3A_40 = arith.constant 0 : index
    %get3A_41 = vector.load %arg8[%get3A_39, %get3A_40] : memref<1x128xf32, #tpu.memory_space<vmem>>, vector<1x128xf32>
    %add3A_42 = vector.broadcast %get3A_41 : vector<1x128xf32> to vector<512x128xf32>
    %add3A_43 = arith.addf %dot_general3A_38, %add3A_42 : vector<512x128xf32>
    %max3A_44 = arith.constant 0.000000e+00 : f32
    %max3A_45 = vector.broadcast %max3A_44 : f32 to vector<512x128xf32>
    %max3A_46 = arith.maximumf %add3A_43, %max3A_45 : vector<512x128xf32>
    %get3A_47 = arith.constant 0 : index
    %get3A_48 = arith.constant 0 : index
    %get3A_49 = vector.load %arg9[%get3A_47, %get3A_48] : memref<128x64xf32, #tpu.memory_space<vmem>>, vector<128x64xf32>
    %dot_general3A_50 = arith.constant dense<0.000000e+00> : vector<512x64xf32>
    %dot_general3A_51 = tpu.matmul %max3A_46, %get3A_49, %dot_general3A_50 {dimension_numbers = #tpu.dot_dimension_numbers<[1], [0], [0], [1], [0, 0, 1, 1], [], []>, transpose_lhs_hint = false} : vector<512x128xf32>, vector<128x64xf32>, vector<512x64xf32> -> vector<512x64xf32>
    %get3A_52 = arith.constant 0 : index
    %get3A_53 = arith.constant 0 : index
    %get3A_54 = vector.load %arg10[%get3A_52, %get3A_53] : memref<1x64xf32, #tpu.memory_space<vmem>>, vector<1x64xf32>
    %add3A_55 = vector.broadcast %get3A_54 : vector<1x64xf32> to vector<512x64xf32>
    %add3A_56 = arith.addf %dot_general3A_51, %add3A_55 : vector<512x64xf32>
    %max3A_57 = arith.constant 0.000000e+00 : f32
    %max3A_58 = vector.broadcast %max3A_57 : f32 to vector<512x64xf32>
    %max3A_59 = arith.maximumf %add3A_56, %max3A_58 : vector<512x64xf32>
    %add3A_60 = vector.broadcast %mul3A_16 : vector<512x1xf32> to vector<512x64xf32>
    %add3A_61 = arith.addf %add3A_60, %max3A_59 : vector<512x64xf32>
    %get3A_62 = arith.constant 0 : index
    %get3A_63 = arith.constant 0 : index
    %get3A_64 = vector.load %arg11[%get3A_62, %get3A_63] : memref<64x1xf32, #tpu.memory_space<vmem>>, vector<64x1xf32>
    %dot_general3A_65 = arith.constant dense<0.000000e+00> : vector<512x1xf32>
    %dot_general3A_66 = tpu.matmul %add3A_61, %get3A_64, %dot_general3A_65 {dimension_numbers = #tpu.dot_dimension_numbers<[1], [0], [0], [1], [0, 0, 1, 1], [], []>, transpose_lhs_hint = false} : vector<512x64xf32>, vector<64x1xf32>, vector<512x1xf32> -> vector<512x1xf32>
    %get3A_67 = arith.constant 0 : index
    %get3A_68 = arith.constant 0 : index
    %get3A_69 = vector.load %arg12[%get3A_67, %get3A_68] : memref<1x1xf32, #tpu.memory_space<vmem>>, vector<1x1xf32>
    %add3A_70 = vector.broadcast %get3A_69 : vector<1x1xf32> to vector<512x1xf32>
    %add3A_71 = arith.addf %dot_general3A_66, %add3A_70 : vector<512x1xf32>
    %logistic3A = arith.negf %add3A_71 : vector<512x1xf32>
    %logistic3A_72 = math.exp %logistic3A : vector<512x1xf32>
    %logistic3A_73 = arith.constant 1.000000e+00 : f32
    %logistic3A_74 = vector.broadcast %logistic3A_73 : f32 to vector<512x1xf32>
    %logistic3A_75 = arith.addf %logistic3A_74, %logistic3A_72 : vector<512x1xf32>
    %logistic3A_76 = arith.divf %logistic3A_74, %logistic3A_75 : vector<512x1xf32>
    %swap3A = arith.constant 0 : index
    %swap3A_77 = arith.constant 0 : index
    %swap3A_78 = vector.load %arg13[%swap3A, %swap3A_77] : memref<512x1xf32, #tpu.memory_space<vmem>>, vector<512x1xf32>
    tpu.vector_store %arg13[%swap3A, %swap3A_77], %logistic3A_76 {strides = array<i32>} : memref<512x1xf32, #tpu.memory_space<vmem>>, vector<512x1xf32>,
    return
  }
  func.func @transform_0(%arg0: i32) -> (i32, i32) {
    %c0_i32 = arith.constant 0 : i32
    %c0_i32_0 = arith.constant 0 : i32
    return %arg0, %c0_i32 : i32, i32
  }
  func.func @transform_1(%arg0: i32) -> (i32, i32) {
    %c0_i32 = arith.constant 0 : i32
    %c0_i32_0 = arith.constant 0 : i32
    return %arg0, %c0_i32 : i32, i32
  }
  func.func @transform_2(%arg0: i32) -> (i32, i32) {
    %c0_i32 = arith.constant 0 : i32
    %c0_i32_0 = arith.constant 0 : i32
    %c0_i32_1 = arith.constant 0 : i32
    return %c0_i32, %c0_i32_0 : i32, i32
  }
  func.func @transform_3(%arg0: i32) -> (i32, i32) {
    %c0_i32 = arith.constant 0 : i32
    %c0_i32_0 = arith.constant 0 : i32
    %c0_i32_1 = arith.constant 0 : i32
    return %c0_i32, %c0_i32_0 : i32, i32
  }
  func.func @transform_4(%arg0: i32) -> (i32, i32) {
    %c0_i32 = arith.constant 0 : i32
    %c0_i32_0 = arith.constant 0 : i32
    %c0_i32_1 = arith.constant 0 : i32
    return %c0_i32, %c0_i32_0 : i32, i32
  }
  func.func @transform_5(%arg0: i32) -> (i32, i32) {
    %c0_i32 = arith.constant 0 : i32
    %c0_i32_0 = arith.constant 0 : i32
    %c0_i32_1 = arith.constant 0 : i32
    return %c0_i32, %c0_i32_0 : i32, i32
  }
  func.func @transform_6(%arg0: i32) -> (i32, i32) {
    %c0_i32 = arith.constant 0 : i32
    %c0_i32_0 = arith.constant 0 : i32
    %c0_i32_1 = arith.constant 0 : i32
    return %c0_i32, %c0_i32_0 : i32, i32
  }
  func.func @transform_7(%arg0: i32) -> (i32, i32) {
    %c0_i32 = arith.constant 0 : i32
    %c0_i32_0 = arith.constant 0 : i32
    %c0_i32_1 = arith.constant 0 : i32
    return %c0_i32, %c0_i32_0 : i32, i32
  }
  func.func @transform_8(%arg0: i32) -> (i32, i32) {
    %c0_i32 = arith.constant 0 : i32
    %c0_i32_0 = arith.constant 0 : i32
    %c0_i32_1 = arith.constant 0 : i32
    return %c0_i32, %c0_i32_0 : i32, i32
  }
  func.func @transform_9(%arg0: i32) -> (i32, i32) {
    %c0_i32 = arith.constant 0 : i32
    %c0_i32_0 = arith.constant 0 : i32
    %c0_i32_1 = arith.constant 0 : i32
    return %c0_i32, %c0_i32_0 : i32, i32
  }
  func.func @transform_10(%arg0: i32) -> (i32, i32) {
    %c0_i32 = arith.constant 0 : i32
    %c0_i32_0 = arith.constant 0 : i32
    %c0_i32_1 = arith.constant 0 : i32
    return %c0_i32, %c0_i32_0 : i32, i32
  }
  func.func @transform_11(%arg0: i32) -> (i32, i32) {
    %c0_i32 = arith.constant 0 : i32
    %c0_i32_0 = arith.constant 0 : i32
    %c0_i32_1 = arith.constant 0 : i32
    return %c0_i32, %c0_i32_0 : i32, i32
  }
  func.func @transform_12(%arg0: i32) -> (i32, i32) {
    %c0_i32 = arith.constant 0 : i32
    %c0_i32_0 = arith.constant 0 : i32
    return %arg0, %c0_i32 : i32, i32
  }
}

</mosaic_0001>

<sc_bundles>
// kernel: kernel.5.cloned.1.call-start
scs
__scs_entry_jumppad:
0x0: {  	(pc) =	sbr.rel $0x88, $3  }
0x1: {  	(tag) =	ssettag $0x0;
	lr =	simm.s32 $0x1  }
0x2: {  	[smem:$0x3F97] =	sst lr;
	_ =	strace $0xD0000000  }
0x3: {  	_ = 	snop  }
0x4: {  	_ = 	snop  }
0x5: {  	_ = 	snop  }
0x6: {  	_ = 	snop  }
0x7: {  	_ = 	snop  }
__scs_overlays_trampoline_lowered:
0x8: {  	[smem:$0x3FA6] =	sst s0  }
0x9: {  	[smem:$0x3FA7] =	sst s1  }
0xa: {  	[smem:$0x3FA8] =	sst s2  }
0xb: {  	[smem:$0x3FA9] =	sst s3  }
0xc: {  	[smem:$0x3FAA] =	sst s4  }
0xd: {  	[smem:$0x3FAB] =	sst s5  }
0xe: {  	[smem:$0x3FAC] =	sst s6  }
0xf: {  	[smem:$0x3FAD] =	sst s7  }
0x10: {  	[smem:$0x3FAE] =	sst s8  }
0x11: {  	[smem:$0x3FAF] =	sst s9;
	s0 =	simm.s32 @!p0 $0x0  }
0x12: {  	s1 =	sld [smem:$0x3F95];
	s0 =	simm.s32 @p0 $0x1  }
0x13: {  	[smem:$0x3FB0] =	sst s0;
	s0 =	simm.s32 @!p1 $0x0  }
0x14: {  	s2 =	sld [smem:$0x3F94];
	s0 =	simm.s32 @p1 $0x1  }
0x15: {  	[smem:$0x3FB1] =	sst s0;
	s0 =	simm.s32 @!p2 $0x0  }
0x16: {  	s3 =	sld [smem:$0x3FDB];
	s0 =	simm.s32 @p2 $0x1  }
0x17: {  	s4 =	simm.s32 $0x1BF5;
	[smem:$0x3FB3] =	sst s0  }
0x18: {  	s0 =	sld [smem:$0x3F96];
	_ =	swait.ge [sflag:s4], $0x0  }
0x19: {  	s7 =	sld [smem:$0x3F97]  }
0x1a: {  	s8 =	sadd.s32 $0xFFFFE003, lr  }
0x1b: {  	s9 =	sadd.s32 $0xFFFFFEF7, lr;
	s5 =	simm.s32 $0xFFFFFFFF;
	p2 =	slt.u32 s8, $0xFFFFF086  }
0x1c: {  	p1 =	slt.u32 s9, $0xF7A;
	s5 =	simm.s32 @!p2 $0x0  }
0x1d: {  	s5 =	simm.s32 @p1 $0x1;
	p0 =	seq.s32 s7, s2  }
0x1e: {  	s7 =	smul.u32 @!p0 $0xF7A, s2;
	p2 =	seq.s32 @!p0 s5, $0x0  }
0x1f: {  	s9 =	smul.u32 $0xF7A, s1;
	s8 =	simm.s32 @!p0 $0x1BF5;
	p2 =	por !p2, p0  }
0x20: {  	[sflag:s8] =	ssyncset.s32 @!p0 $0xFFFFF086;
	s6 =	sadd.s32 @!p0 s3, s7;
	s7 =	simm.s32 @!p0 $0x108  }
0x21: {  	s3 =	sadd.s32 s3, s9;
	s6 =	sadd.s32 @!p0 $0x88, s6;
	s7 =	simm.s32 @p2 $0x1082  }
0x22: {  	[simem:s7], [sflag:s8] =	dma.local @!p0 [hbm:s6], $0xF7A  }
0x23: {  	s9 =	sor.u32 $0xD0000000, s2;
	s6 =	simm.s32 $0x108;
	_ =	swait.ge @!p0 [sflag:s8], $0x0  }
0x24: {  	s3 =	sadd.s32 $0x88, s3;
	s6 =	simm.s32 @!p1 $0x1082;
	[sflag:s4] =	ssyncset.s32 $0xFFFFF086  }
0x25: {  	[simem:s6], [sflag:s4] =	dma.local [hbm:s3], $0xF7A  }
0x26: {  	[smem:$0x3F97] =	sst s1;
	(tag) =	ssettag s2;
	_ =	strace s9  }
0x27: {  	s1 =	sld [smem:$0x3FA7]  }
0x28: {  	s2 =	sld [smem:$0x3FA8]  }
0x29: {  	s4 =	sld [smem:$0x3FAA]  }
0x2a: {  	p0 =	seq.s32 s5, $0x0;
	s5 =	sld [smem:$0x3FAB]  }
0x2b: {  	s6 =	sld [smem:$0x3FAC]  }
0x2c: {  	s7 =	sld [smem:$0x3FAD]  }
0x2d: {  	s3 =	simm.s32 $0x108;
	s8 =	sld [smem:$0x3FAE]  }
0x2e: {  	s3 =	simm.s32 @!p0 $0x1082;
	s9 =	sld [smem:$0x3FAF]  }
0x2f: {  	lr =	sadd.s32 s0, s3;
	s0 =	sld [smem:$0x3FA6]  }
0x30: {  	s3 =	sld [smem:$0x3FA9]  }
0x31: {  	[smem:$0x3FB2] =	sst s10  }
0x32: {  	s10 =	sld [smem:$0x3FB0];
	_ =	sdelay $0x3  }
0x33: {  	p0 =	seq.s32 s10, $0x1;
	s10 =	sld [smem:$0x3FB2];
	_ =	sdelay $0x3  }
0x34: {  	[smem:$0x3FB2] =	sst s10  }
0x35: {  	s10 =	sld [smem:$0x3FB1];
	_ =	sdelay $0x3  }
0x36: {  	p1 =	seq.s32 s10, $0x1;
	s10 =	sld [smem:$0x3FB2];
	_ =	sdelay $0x3  }
0x37: {  	[smem:$0x3FB2] =	sst s10  }
0x38: {  	s10 =	sld [smem:$0x3FB3]  }
0x39: {  	_ = 	snop;
	(pc) =	sbr.ind lr, $3  }
0x3a: {  	_ = 	snop  }
0x3b: {  	_ = 	snop  }
0x3c: {  	p2 =	seq.s32 s10, $0x1;
	s10 =	sld [smem:$0x3FB2]  }
0x3d: {  	_ =	shalt  }
0x3e: {  	_ =	shalt  }
0x3f: {  	_ =	shalt  }
0x40: {  	_ =	shalt  }
0x41: {  	_ =	shalt  }
0x42: {  	_ =	shalt  }
0x43: {  	_ =	shalt  }
0x44: {  	_ =	shalt  }
0x45: {  	_ =	shalt  }
0x46: {  	_ =	shalt  }
0x47: {  	_ =	shalt  }
0x48: {  	_ =	shalt  }
0x49: {  	_ =	shalt  }
0x4a: {  	_ =	shalt  }
0x4b: {  	_ =	shalt  }
0x4c: {  	_ =	shalt  }
0x4d: {  	_ =	shalt  }
0x4e: {  	_ =	shalt  }
0x4f: {  	_ =	shalt  }
0x50: {  	_ =	shalt  }
0x51: {  	_ =	shalt  }
0x52: {  	_ =	shalt  }
0x53: {  	_ =	shalt  }
0x54: {  	_ =	shalt  }
0x55: {  	_ =	shalt  }
0x56: {  	_ =	shalt  }
0x57: {  	_ =	shalt  }
0x58: {  	_ =	shalt  }
0x59: {  	_ =	shalt  }
0x5a: {  	_ =	shalt  }
0x5b: {  	_ =	shalt  }
0x5c: {  	_ =	shalt  }
0x5d: {  	_ =	shalt  }
0x5e: {  	_ =	shalt  }
0x5f: {  	_ =	shalt  }
0x60: {  	_ =	shalt  }
0x61: {  	_ =	shalt  }
0x62: {  	_ =	shalt  }
0x63: {  	_ =	shalt  }
0x64: {  	_ =	shalt  }
0x65: {  	_ =	shalt  }
0x66: {  	_ =	shalt  }
0x67: {  	_ =	shalt  }
0x68: {  	_ =	shalt  }
0x69: {  	_ =	shalt  }
0x6a: {  	_ =	shalt  }
0x6b: {  	_ =	shalt  }
0x6c: {  	_ =	shalt  }
0x6d: {  	_ =	shalt  }
0x6e: {  	_ =	shalt  }
0x6f: {  	_ =	shalt  }
0x70: {  	_ =	shalt  }
0x71: {  	_ =	shalt  }
0x72: {  	_ =	shalt  }
0x73: {  	_ =	shalt  }
0x74: {  	_ =	shalt  }
0x75: {  	_ =	shalt  }
0x76: {  	_ =	shalt  }
0x77: {  	_ =	shalt  }
0x78: {  	_ =	shalt  }
0x79: {  	_ =	shalt  }
0x7a: {  	_ =	shalt  }
0x7b: {  	_ =	shalt  }
0x7c: {  	_ =	shalt  }
0x7d: {  	_ =	shalt  }
0x7e: {  	_ =	shalt  }
0x7f: {  	_ =	shalt  }
0x80: {  	_ =	shalt  }
0x81: {  	_ =	shalt  }
0x82: {  	_ =	shalt  }
0x83: {  	_ =	shalt  }
0x84: {  	_ =	shalt  }
0x85: {  	_ =	shalt  }
0x86: {  	_ =	shalt  }
0x87: {  	_ =	shalt  }
.Lfunc_end0:
.L_simem_size_0:
called_computation_lowered:
.L_overlay_start_0:
0x88: {  	s2 =	sld [smem:$0x3FD9]  }
0x89: {  	s3 =	sld [smem:$0x3FFE];
	_ =	sdelay $0x1  }
0x8a: {  	s1 =	srdreg.scid  }
0x8b: {  	s0 =	sand.u32 $0x1, s1  }
0x8c: {  	s16 =	sshll.u32 s0, $0xA;
	s2 =	sadd.s32 s3, s2  }
0x8d: {  	s2 =	sadd.s32 s2, s16  }
0x8e: {  	[smem:$0x3FBE] =	sst s2  }
0x8f: {  	_ = 	snop  }
0x90: {  	(tm) =	ssettm $0x1  }
0x91: {  	s17 =	sld [smem:$0x3FFB];
	_ =	sdelay $0x3  }
0x92: {  	_ =	strace s17  }
0x93: {  	s2 =	sld [smem:$0x3FFC];
	_ =	sdelay $0x3  }
0x94: {  	_ =	strace s2  }
0x95: {  	s2 =	sld [smem:$0x3FFD];
	_ =	sdelay $0x3  }
0x96: {  	_ =	strace s2  }
0x97: {  	_ =	strace $0x8FFFFFFF  }
0x98: {  	s18 =	sld [smem:$0x3FDB];
	_ =	sdelay $0x1  }
0x99: {  	s19 =	simm.s32 $_scs_section_size  }
0x9a: {  	s4 =	simm.s32 $_size__tile_overlayer_lowered;
	s5 =	simm.s32 $_tile_overlayer_lowered  }
0x9b: {  	s22 =	simm.s32 $0x1BFF;
	s21 =	sshll.u32 s5, $0x1;
	s2 =	sadd.s32 s19, s18  }
0x9c: {  	s6 =	simm.s32 $0x0;
	s20 =	sshll.u32 s4, $0x1;
	s4 =	sadd.s32 s21, s2  }
0x9d: {  	[timem:s6], [sflag:s22] =	dma.local [hbm:s4], s20  }
0x9e: {  	_ =	swait.ge [sflag:s22], s20  }
0x9f: {  	s3 =	ssub.s32 $0x0, s20;
	[sflag:s22] =	ssyncset.done $0x0  }
0xa0: {  	[sflag:s22] =	ssyncadd.s32 s3;
	_ =	sdelay $0x1  }
0xa1: {  	s23 =	simm.s32 $0x1B8B  }
0xa2: {  	_ =	swait.ge [sflag:s23], $0x1  }
0xa3: {  	[sflag:s23] =	ssyncset.done $0x0  }
0xa4: {  	s25 =	simm.s32 $0x1B8E;
	s24 =	sld [smem:$0x3FFE];
	[sflag:s23] =	ssyncadd.s32 $0xFFFFFFFF  }
0xa5: {  	s26 =	simm.s32 $execute0_lowered;
	[smem:$0x3FD2] =	sst s25  }
0xa6: {  	s4 =	sshll.u32 s26, $0x1;
	_ =	strace $0x80000046;
	[dreg:$0x1] =	wrdreg $0xFFFFFFFF  }
0xa7: {  	s28 =	simm.s32 $_size_execute0_lowered;
	s2 =	sadd.s32 s2, s4;
	[dreg:$0x0] =	wrdreg $0x0  }
0xa8: {  	s4 =	sshll.u32 s28, $0x1;
	[dreg:$0x2] =	wrdreg s2  }
0xa9: {  	[dreg:$0x3] =	wrdreg s4  }
0xaa: {  	[dreg:$0x4] =	wrdreg $0xC0  }
0xab: {  	_ =	task [dreg:s6], $0x5FFFF  }
0xac: {  	[dreg:$0x1] =	wrdreg $0xFFFFFFFF  }
0xad: {  	[dreg:$0x0] =	wrdreg $0x60  }
0xae: {  	[dreg:$0x2] =	wrdreg s24  }
0xaf: {  	[dreg:$0x3] =	wrdreg $0x9  }
0xb0: {  	_ =	task.clear_ibuf [dreg:s6], $0x4FFFF;
	_ =	strace $0x90000046  }
0xb1: {  	s29 =	simm.s32 $0x9;
	_ =	strace $0x80000048  }
0xb2: {  	_ =	swait.ge [sflag:s29], $0x1  }
0xb3: {  	[sflag:s29] =	ssyncadd.s32 $0xFFFFFFFF  }
0xb4: {  	_ =	strace $0x90000048  }
0xb5: {  	_ =	sfence  }
0xb6: {  	s30 =	sld [smem:$0x0];
	_ =	sdelay $0x2  }
0xb7: {  	s31 =	sshll.u32 s1, $0xD;
	s1 =	sshrl.u32 s1, $0x2  }
0xb8: {  	s3 =	sand.u32 $0x4000, s31;
	s1 =	sadd.s32 s1, s30  }
0xb9: {  	s0 =	sor.u32 s3, s0;
	s1 =	sshll.u32 s1, $0x11  }
0xba: {  	s0 =	sor.u32 s1, s0  }
0xbb: {  	s0 =	sadd.s32 $0x8F2B, s0  }
0xbc: {  	[sflag:s0] =	ssyncadd.remote.s32 $0x1  }
0xbd: {  	_ =	sfence.sel $0xFFFF  }
0xbe: {  	[dreg:$0x0] =	wrdreg $0xFFFFFFFF;
	(pc) =	sbr.abs _section_cstart, $3  }
0xbf: {  	[dreg:$0x1] =	wrdreg $0xFFFFFFFF  }
0xc0: {  	_ =	task.clear_ibuf [dreg:s6], $0x2FFFF;
	_ =	strace $0x9FFFFFFF  }
0xc1: {  	(tm) =	ssettm $0x7FFFFFFF  }
tec
execute0_lowered:
.L_overlay_start_1:
0x0: {  	(tag) =	ssettag $0x1  }
0x1: {  	s0 =	srdreg.scid;
	s1 =	stileid.u32  }
0x2: {  	s31 =	sand.u32 $0x1, s0;
	s25 =	sshll.u32 s1, $0x1  }
0x3: {  	s3 =	sor.u32 s31, s25  }
0x4: {  	s0 =	smul.u32 $0x3400, s3  }
0x5: {  	s4 =	rddreg [dreg:$0x0];
	s2 =	simm.s32 $0x0;
	s3 =	smul.u32 $0x6800, s3  }
0x6: {  	[smem:$0x7FF] =	sst s2;
	s1 =	sadd.s32 $0x503E00, s4  }
0x7: {  	s30 =	sadd.s32 $0x4F6E00, s4;
	s5 =	sshrl.u32 s0, $0x3;
	s3 =	sadd.s32 s1, s3  }
0x8: {  	_ =	strace $0x80000047;
	s5 =	sadd.s32 s30, s5;
	[dreg:$0x3] =	wrdreg s3  }
0x9: {  	[dreg:$0x2] =	wrdreg s5  }
0xa: {  	s3 =	simm.s32 $0x2;
	s5 =	rddreg [dreg:$0x2]  }
0xb: {  	[tilespmem:s2], [sflag:$0x2] =	stream.linear.gather [hbm4b:s5+s2], $0x400, $0x38;
	[tilespmem:$0x4400] =	vst v63  }
0xc: {  	_ =	swait.ge [sflag:s3], $0x400  }
0xd: {  	s6 =	simm.s32 $0x1;
	[sflag:s3] =	ssyncset.done $0x0  }
0xe: {  	s4 =	sadd.s32 $0x1400, s4;
	s5 =	simm.s32 $0x400;
	[sflag:s3] =	ssyncadd.s32 $0xFFFFFC00  }
0xf: {  	[tilespmem:s5], [sflag:$0x1] =	stream.indirect.gather [hbm4b:s4+s5], $0x10, s2, s5, $0xb8;
	[tilespmem:$0x4400] =	vst v63  }
0x10: {  	_ =	swait.ge [sflag:s6], $0x4000  }
0x11: {  	[sflag:s6] =	ssyncset.done $0x0  }
0x12: {  	s7 =	rddreg [dreg:$0x3];
	[sflag:s6] =	ssyncadd.s32 $0xFFFFC000  }
0x13: {  	[hbm4b:s7+s2] =	stream.linear.scatter [tilespmem:s5], [sflag:$0x2], $0x4000, $0x38;
	[tilespmem:$0x4400] =	vst v63  }
0x14: {  	s8 =	sadd.s32 $0x400, s0;
	_ =	swait.ge [sflag:s3], $0x4000  }
0x15: {  	s26 =	sshrl.u32 s8, $0x3;
	[sflag:s3] =	ssyncset.done $0x0  }
0x16: {  	s7 =	sadd.s32 s30, s26;
	[sflag:s3] =	ssyncadd.s32 $0xFFFFC000  }
0x17: {  	[tilespmem:s2], [sflag:$0x2] =	stream.linear.gather [hbm4b:s7+s2], $0x400, $0x38;
	[tilespmem:$0x4400] =	vst v63  }
0x18: {  	_ =	swait.ge [sflag:s3], $0x400  }
0x19: {  	[sflag:s3] =	ssyncset.done $0x0  }
0x1a: {  	[sflag:s3] =	ssyncadd.s32 $0xFFFFFC00  }
0x1b: {  	[tilespmem:s5], [sflag:$0x1] =	stream.indirect.gather [hbm4b:s4+s5], $0x10, s2, s5, $0xb8;
	[tilespmem:$0x4400] =	vst v63  }
0x1c: {  	_ =	swait.ge [sflag:s6], $0x4000  }
0x1d: {  	s8 =	sshll.u32 s8, $0x1;
	[sflag:s6] =	ssyncset.done $0x0  }
0x1e: {  	s8 =	sadd.s32 s1, s8;
	[sflag:s6] =	ssyncadd.s32 $0xFFFFC000  }
0x1f: {  	[hbm4b:s8+s2] =	stream.linear.scatter [tilespmem:s5], [sflag:$0x2], $0x4000, $0x38;
	[tilespmem:$0x4400] =	vst v63  }
0x20: {  	s10 =	sadd.s32 $0x800, s0;
	_ =	swait.ge [sflag:s3], $0x4000  }
0x21: {  	s9 =	sshrl.u32 s10, $0x3;
	[sflag:s3] =	ssyncset.done $0x0  }
0x22: {  	s9 =	sadd.s32 s30, s9;
	[sflag:s3] =	ssyncadd.s32 $0xFFFFC000  }
0x23: {  	[tilespmem:s2], [sflag:$0x2] =	stream.linear.gather [hbm4b:s9+s2], $0x400, $0x38;
	[tilespmem:$0x4400] =	vst v63  }
0x24: {  	_ =	swait.ge [sflag:s3], $0x400  }
0x25: {  	[sflag:s3] =	ssyncset.done $0x0  }
0x26: {  	[sflag:s3] =	ssyncadd.s32 $0xFFFFFC00  }
0x27: {  	[tilespmem:s5], [sflag:$0x1] =	stream.indirect.gather [hbm4b:s4+s5], $0x10, s2, s5, $0xb8;
	[tilespmem:$0x4400] =	vst v63  }
0x28: {  	_ =	swait.ge [sflag:s6], $0x4000  }
0x29: {  	s10 =	sshll.u32 s10, $0x1;
	[sflag:s6] =	ssyncset.done $0x0  }
0x2a: {  	s10 =	sadd.s32 s1, s10;
	[sflag:s6] =	ssyncadd.s32 $0xFFFFC000  }
0x2b: {  	[hbm4b:s10+s2] =	stream.linear.scatter [tilespmem:s5], [sflag:$0x2], $0x4000, $0x38;
	[tilespmem:$0x4400] =	vst v63  }
0x2c: {  	s12 =	sadd.s32 $0xC00, s0;
	_ =	swait.ge [sflag:s3], $0x4000  }
0x2d: {  	s11 =	sshrl.u32 s12, $0x3;
	[sflag:s3] =	ssyncset.done $0x0  }
0x2e: {  	s11 =	sadd.s32 s30, s11;
	[sflag:s3] =	ssyncadd.s32 $0xFFFFC000  }
0x2f: {  	[tilespmem:s2], [sflag:$0x2] =	stream.linear.gather [hbm4b:s11+s2], $0x400, $0x38;
	[tilespmem:$0x4400] =	vst v63  }
0x30: {  	_ =	swait.ge [sflag:s3], $0x400  }
0x31: {  	[sflag:s3] =	ssyncset.done $0x0  }
0x32: {  	[sflag:s3] =	ssyncadd.s32 $0xFFFFFC00  }
0x33: {  	[tilespmem:s5], [sflag:$0x1] =	stream.indirect.gather [hbm4b:s4+s5], $0x10, s2, s5, $0xb8;
	[tilespmem:$0x4400] =	vst v63  }
0x34: {  	_ =	swait.ge [sflag:s6], $0x4000  }
0x35: {  	s12 =	sshll.u32 s12, $0x1;
	[sflag:s6] =	ssyncset.done $0x0  }
0x36: {  	s12 =	sadd.s32 s1, s12;
	[sflag:s6] =	ssyncadd.s32 $0xFFFFC000  }
0x37: {  	[hbm4b:s12+s2] =	stream.linear.scatter [tilespmem:s5], [sflag:$0x2], $0x4000, $0x38;
	[tilespmem:$0x4400] =	vst v63  }
0x38: {  	s14 =	sadd.s32 $0x1000, s0;
	_ =	swait.ge [sflag:s3], $0x4000  }
0x39: {  	s13 =	sshrl.u32 s14, $0x3;
	[sflag:s3] =	ssyncset.done $0x0  }
0x3a: {  	s13 =	sadd.s32 s30, s13;
	[sflag:s3] =	ssyncadd.s32 $0xFFFFC000  }
0x3b: {  	[tilespmem:s2], [sflag:$0x2] =	stream.linear.gather [hbm4b:s13+s2], $0x400, $0x38;
	[tilespmem:$0x4400] =	vst v63  }
0x3c: {  	_ =	swait.ge [sflag:s3], $0x400  }
0x3d: {  	[sflag:s3] =	ssyncset.done $0x0  }
0x3e: {  	[sflag:s3] =	ssyncadd.s32 $0xFFFFFC00  }
0x3f: {  	[tilespmem:s5], [sflag:$0x1] =	stream.indirect.gather [hbm4b:s4+s5], $0x10, s2, s5, $0xb8;
	[tilespmem:$0x4400] =	vst v63  }
0x40: {  	_ =	swait.ge [sflag:s6], $0x4000  }
0x41: {  	s14 =	sshll.u32 s14, $0x1;
	[sflag:s6] =	ssyncset.done $0x0  }
0x42: {  	s14 =	sadd.s32 s1, s14;
	[sflag:s6] =	ssyncadd.s32 $0xFFFFC000  }
0x43: {  	[hbm4b:s14+s2] =	stream.linear.scatter [tilespmem:s5], [sflag:$0x2], $0x4000, $0x38;
	[tilespmem:$0x4400] =	vst v63  }
0x44: {  	s16 =	sadd.s32 $0x1400, s0;
	_ =	swait.ge [sflag:s3], $0x4000  }
0x45: {  	s15 =	sshrl.u32 s16, $0x3;
	[sflag:s3] =	ssyncset.done $0x0  }
0x46: {  	s15 =	sadd.s32 s30, s15;
	[sflag:s3] =	ssyncadd.s32 $0xFFFFC000  }
0x47: {  	[tilespmem:s2], [sflag:$0x2] =	stream.linear.gather [hbm4b:s15+s2], $0x400, $0x38;
	[tilespmem:$0x4400] =	vst v63  }
0x48: {  	_ =	swait.ge [sflag:s3], $0x400  }
0x49: {  	[sflag:s3] =	ssyncset.done $0x0  }
0x4a: {  	[sflag:s3] =	ssyncadd.s32 $0xFFFFFC00  }
0x4b: {  	[tilespmem:s5], [sflag:$0x1] =	stream.indirect.gather [hbm4b:s4+s5], $0x10, s2, s5, $0xb8;
	[tilespmem:$0x4400] =	vst v63  }
0x4c: {  	_ =	swait.ge [sflag:s6], $0x4000  }
0x4d: {  	s16 =	sshll.u32 s16, $0x1;
	[sflag:s6] =	ssyncset.done $0x0  }
0x4e: {  	s16 =	sadd.s32 s1, s16;
	[sflag:s6] =	ssyncadd.s32 $0xFFFFC000  }
0x4f: {  	[hbm4b:s16+s2] =	stream.linear.scatter [tilespmem:s5], [sflag:$0x2], $0x4000, $0x38;
	[tilespmem:$0x4400] =	vst v63  }
0x50: {  	s18 =	sadd.s32 $0x1800, s0;
	_ =	swait.ge [sflag:s3], $0x4000  }
0x51: {  	s17 =	sshrl.u32 s18, $0x3;
	[sflag:s3] =	ssyncset.done $0x0  }
0x52: {  	s17 =	sadd.s32 s30, s17;
	[sflag:s3] =	ssyncadd.s32 $0xFFFFC000  }
0x53: {  	[tilespmem:s2], [sflag:$0x2] =	stream.linear.gather [hbm4b:s17+s2], $0x400, $0x38;
	[tilespmem:$0x4400] =	vst v63  }
0x54: {  	_ =	swait.ge [sflag:s3], $0x400  }
0x55: {  	[sflag:s3] =	ssyncset.done $0x0  }
0x56: {  	[sflag:s3] =	ssyncadd.s32 $0xFFFFFC00  }
0x57: {  	[tilespmem:s5], [sflag:$0x1] =	stream.indirect.gather [hbm4b:s4+s5], $0x10, s2, s5, $0xb8;
	[tilespmem:$0x4400] =	vst v63  }
0x58: {  	_ =	swait.ge [sflag:s6], $0x4000  }
0x59: {  	s18 =	sshll.u32 s18, $0x1;
	[sflag:s6] =	ssyncset.done $0x0  }
0x5a: {  	s18 =	sadd.s32 s1, s18;
	[sflag:s6] =	ssyncadd.s32 $0xFFFFC000  }
0x5b: {  	[hbm4b:s18+s2] =	stream.linear.scatter [tilespmem:s5], [sflag:$0x2], $0x4000, $0x38;
	[tilespmem:$0x4400] =	vst v63  }
0x5c: {  	s20 =	sadd.s32 $0x1C00, s0;
	_ =	swait.ge [sflag:s3], $0x4000  }
0x5d: {  	s19 =	sshrl.u32 s20, $0x3;
	[sflag:s3] =	ssyncset.done $0x0  }
0x5e: {  	s19 =	sadd.s32 s30, s19;
	[sflag:s3] =	ssyncadd.s32 $0xFFFFC000  }
0x5f: {  	[tilespmem:s2], [sflag:$0x2] =	stream.linear.gather [hbm4b:s19+s2], $0x400, $0x38;
	[tilespmem:$0x4400] =	vst v63  }
0x60: {  	_ =	swait.ge [sflag:s3], $0x400  }
0x61: {  	[sflag:s3] =	ssyncset.done $0x0  }
0x62: {  	[sflag:s3] =	ssyncadd.s32 $0xFFFFFC00  }
0x63: {  	[tilespmem:s5], [sflag:$0x1] =	stream.indirect.gather [hbm4b:s4+s5], $0x10, s2, s5, $0xb8;
	[tilespmem:$0x4400] =	vst v63  }
0x64: {  	_ =	swait.ge [sflag:s6], $0x4000  }
0x65: {  	s20 =	sshll.u32 s20, $0x1;
	[sflag:s6] =	ssyncset.done $0x0  }
0x66: {  	s20 =	sadd.s32 s1, s20;
	[sflag:s6] =	ssyncadd.s32 $0xFFFFC000  }
0x67: {  	[hbm4b:s20+s2] =	stream.linear.scatter [tilespmem:s5], [sflag:$0x2], $0x4000, $0x38;
	[tilespmem:$0x4400] =	vst v63  }
0x68: {  	s22 =	sadd.s32 $0x2000, s0;
	_ =	swait.ge [sflag:s3], $0x4000  }
0x69: {  	s21 =	sshrl.u32 s22, $0x3;
	[sflag:s3] =	ssyncset.done $0x0  }
0x6a: {  	s21 =	sadd.s32 s30, s21;
	[sflag:s3] =	ssyncadd.s32 $0xFFFFC000  }
0x6b: {  	[tilespmem:s2], [sflag:$0x2] =	stream.linear.gather [hbm4b:s21+s2], $0x400, $0x38;
	[tilespmem:$0x4400] =	vst v63  }
0x6c: {  	_ =	swait.ge [sflag:s3], $0x400  }
0x6d: {  	[sflag:s3] =	ssyncset.done $0x0  }
0x6e: {  	[sflag:s3] =	ssyncadd.s32 $0xFFFFFC00  }
0x6f: {  	[tilespmem:s5], [sflag:$0x1] =	stream.indirect.gather [hbm4b:s4+s5], $0x10, s2, s5, $0xb8;
	[tilespmem:$0x4400] =	vst v63  }
0x70: {  	_ =	swait.ge [sflag:s6], $0x4000  }
0x71: {  	s22 =	sshll.u32 s22, $0x1;
	[sflag:s6] =	ssyncset.done $0x0  }
0x72: {  	s22 =	sadd.s32 s1, s22;
	[sflag:s6] =	ssyncadd.s32 $0xFFFFC000  }
0x73: {  	[hbm4b:s22+s2] =	stream.linear.scatter [tilespmem:s5], [sflag:$0x2], $0x4000, $0x38;
	[tilespmem:$0x4400] =	vst v63  }
0x74: {  	s24 =	sadd.s32 $0x2400, s0;
	_ =	swait.ge [sflag:s3], $0x4000  }
0x75: {  	s23 =	sshrl.u32 s24, $0x3;
	[sflag:s3] =	ssyncset.done $0x0  }
0x76: {  	s23 =	sadd.s32 s30, s23;
	[sflag:s3] =	ssyncadd.s32 $0xFFFFC000  }
0x77: {  	[tilespmem:s2], [sflag:$0x2] =	stream.linear.gather [hbm4b:s23+s2], $0x400, $0x38;
	[tilespmem:$0x4400] =	vst v63  }
0x78: {  	_ =	swait.ge [sflag:s3], $0x400  }
0x79: {  	[sflag:s3] =	ssyncset.done $0x0  }
0x7a: {  	[sflag:s3] =	ssyncadd.s32 $0xFFFFFC00  }
0x7b: {  	[tilespmem:s5], [sflag:$0x1] =	stream.indirect.gather [hbm4b:s4+s5], $0x10, s2, s5, $0xb8;
	[tilespmem:$0x4400] =	vst v63  }
0x7c: {  	_ =	swait.ge [sflag:s6], $0x4000  }
0x7d: {  	s24 =	sshll.u32 s24, $0x1;
	[sflag:s6] =	ssyncset.done $0x0  }
0x7e: {  	s24 =	sadd.s32 s1, s24;
	[sflag:s6] =	ssyncadd.s32 $0xFFFFC000  }
0x7f: {  	[hbm4b:s24+s2] =	stream.linear.scatter [tilespmem:s5], [sflag:$0x2], $0x4000, $0x38;
	[tilespmem:$0x4400] =	vst v63  }
0x80: {  	s26 =	sadd.s32 $0x2800, s0;
	_ =	swait.ge [sflag:s3], $0x4000  }
0x81: {  	s25 =	sshrl.u32 s26, $0x3;
	[sflag:s3] =	ssyncset.done $0x0  }
0x82: {  	s25 =	sadd.s32 s30, s25;
	[sflag:s3] =	ssyncadd.s32 $0xFFFFC000  }
0x83: {  	[tilespmem:s2], [sflag:$0x2] =	stream.linear.gather [hbm4b:s25+s2], $0x400, $0x38;
	[tilespmem:$0x4400] =	vst v63  }
0x84: {  	_ =	swait.ge [sflag:s3], $0x400  }
0x85: {  	[sflag:s3] =	ssyncset.done $0x0  }
0x86: {  	[sflag:s3] =	ssyncadd.s32 $0xFFFFFC00  }
0x87: {  	[tilespmem:s5], [sflag:$0x1] =	stream.indirect.gather [hbm4b:s4+s5], $0x10, s2, s5, $0xb8;
	[tilespmem:$0x4400] =	vst v63  }
0x88: {  	_ =	swait.ge [sflag:s6], $0x4000  }
0x89: {  	s26 =	sshll.u32 s26, $0x1;
	[sflag:s6] =	ssyncset.done $0x0  }
0x8a: {  	s26 =	sadd.s32 s1, s26;
	[dreg:$0x4] =	wrdreg s1;
	[sflag:s6] =	ssyncadd.s32 $0xFFFFC000  }
0x8b: {  	[hbm4b:s26+s2] =	stream.linear.scatter [tilespmem:s5], [sflag:$0x2], $0x4000, $0x38;
	[tilespmem:$0x4400] =	vst v63  }
0x8c: {  	s29 =	sadd.s32 $0x2C00, s0;
	_ =	swait.ge [sflag:s3], $0x4000  }
0x8d: {  	s28 =	sshrl.u32 s29, $0x3;
	[sflag:s3] =	ssyncset.done $0x0  }
0x8e: {  	s28 =	sadd.s32 s30, s28;
	[sflag:s3] =	ssyncadd.s32 $0xFFFFC000  }
0x8f: {  	[tilespmem:s2], [sflag:$0x2] =	stream.linear.gather [hbm4b:s28+s2], $0x400, $0x38;
	[tilespmem:$0x4400] =	vst v63  }
0x90: {  	_ =	swait.ge [sflag:s3], $0x400  }
0x91: {  	[sflag:s3] =	ssyncset.done $0x0  }
0x92: {  	[sflag:s3] =	ssyncadd.s32 $0xFFFFFC00  }
0x93: {  	[tilespmem:s5], [sflag:$0x1] =	stream.indirect.gather [hbm4b:s4+s5], $0x10, s2, s5, $0xb8;
	[tilespmem:$0x4400] =	vst v63  }
0x94: {  	_ =	swait.ge [sflag:s6], $0x4000  }
0x95: {  	s29 =	sshll.u32 s29, $0x1;
	[sflag:s6] =	ssyncset.done $0x0  }
0x96: {  	s29 =	sadd.s32 s1, s29;
	s0 =	sadd.s32 $0x3000, s0;
	[sflag:s6] =	ssyncadd.s32 $0xFFFFC000  }
0x97: {  	[hbm4b:s29+s2] =	stream.linear.scatter [tilespmem:s5], [sflag:$0x2], $0x4000, $0x38;
	[tilespmem:$0x4400] =	vst v63  }
0x98: {  	s1 =	sshrl.u32 s0, $0x3;
	_ =	swait.ge [sflag:s3], $0x4000  }
0x99: {  	s30 =	sadd.s32 s30, s1;
	s1 =	ssub.s32 $0x2, s31;
	[sflag:s3] =	ssyncset.done $0x0  }
0x9a: {  	s31 =	sshrl.u32 s1, $0x1;
	[sflag:s3] =	ssyncadd.s32 $0xFFFFC000  }
0x9b: {  	[tilespmem:s2], [sflag:$0x2] =	stream.linear.gather [hbm4b:s30+s2], $0x400, $0x38;
	[tilespmem:$0x4400] =	vst v63  }
0x9c: {  	s1 =	ssub.s32 s1, s31;
	_ =	swait.ge [sflag:s3], $0x400  }
0x9d: {  	s1 =	smax.u32 s1, $0x1;
	[sflag:s3] =	ssyncset.done $0x0  }
0x9e: {  	p0 =	sne.s32 s1, $0x1;
	[sflag:s3] =	ssyncadd.s32 $0xFFFFFC00  }
0x9f: {  	[tilespmem:s5], [sflag:$0x1] =	stream.indirect.gather [hbm4b:s4+s5], $0x10, s2, s5, $0xb8;
	[tilespmem:$0x4400] =	vst v63  }
.Ltmp0:
0xa0: {  	_ =	swait.ge [sflag:s6], $0x4000;
	(pc) =	sbr.rel @!p0 .LBB2_2-.Ltmp0, $4  }
0xa1: {  	s0 =	sshll.u32 s0, $0x1;
	[sflag:s6] =	ssyncset.done $0x0;
	s31 =	rddreg [dreg:$0x4]  }
0xa2: {  	s31 =	sadd.s32 s31, s0;
	[sflag:s6] =	ssyncadd.s32 $0xFFFFC000  }
0xa3: {  	[hbm4b:s31+s2] =	stream.linear.scatter [tilespmem:s5], [sflag:$0x2], $0x4000, $0x38;
	[tilespmem:$0x4400] =	vst v63  }
0xa4: {  	s1 =	sadd.s32 $0xFFFFFFFF, s1;
	_ =	swait.ge [sflag:s3], $0x4000  }
.LBB2_1:
0xa5: {  	[sflag:s3] =	ssyncset.done $0x0  }
0xa6: {  	s0 =	rddreg [dreg:$0x2];
	[sflag:s3] =	ssyncadd.s32 $0xFFFFC000  }
0xa7: {  	[tilespmem:s2], [sflag:$0x2] =	stream.linear.gather [hbm4b:s0+s2], $0x400, $0x38;
	[tilespmem:$0x4400] =	vst v63  }
0xa8: {  	_ =	swait.ge [sflag:s3], $0x400  }
0xa9: {  	[sflag:s3] =	ssyncset.done $0x0  }
0xaa: {  	[sflag:s3] =	ssyncadd.s32 $0xFFFFFC00  }
0xab: {  	[tilespmem:s5], [sflag:$0x1] =	stream.indirect.gather [hbm4b:s4+s5], $0x10, s2, s5, $0xb8;
	[tilespmem:$0x4400] =	vst v63  }
0xac: {  	_ =	swait.ge [sflag:s6], $0x4000  }
0xad: {  	[sflag:s6] =	ssyncset.done $0x0  }
0xae: {  	s0 =	rddreg [dreg:$0x3];
	[sflag:s6] =	ssyncadd.s32 $0xFFFFC000  }
0xaf: {  	[hbm4b:s0+s2] =	stream.linear.scatter [tilespmem:s5], [sflag:$0x2], $0x4000, $0x38;
	[tilespmem:$0x4400] =	vst v63  }
0xb0: {  	_ =	swait.ge [sflag:s3], $0x4000  }
0xb1: {  	[sflag:s3] =	ssyncset.done $0x0  }
0xb2: {  	[sflag:s3] =	ssyncadd.s32 $0xFFFFC000  }
0xb3: {  	[tilespmem:s2], [sflag:$0x2] =	stream.linear.gather [hbm4b:s7+s2], $0x400, $0x38;
	[tilespmem:$0x4400] =	vst v63  }
0xb4: {  	_ =	swait.ge [sflag:s3], $0x400  }
0xb5: {  	[sflag:s3] =	ssyncset.done $0x0  }
0xb6: {  	[sflag:s3] =	ssyncadd.s32 $0xFFFFFC00  }
0xb7: {  	[tilespmem:s5], [sflag:$0x1] =	stream.indirect.gather [hbm4b:s4+s5], $0x10, s2, s5, $0xb8;
	[tilespmem:$0x4400] =	vst v63  }
0xb8: {  	_ =	swait.ge [sflag:s6], $0x4000  }
0xb9: {  	[sflag:s6] =	ssyncset.done $0x0  }
0xba: {  	[sflag:s6] =	ssyncadd.s32 $0xFFFFC000  }
0xbb: {  	[hbm4b:s8+s2] =	stream.linear.scatter [tilespmem:s5], [sflag:$0x2], $0x4000, $0x38;
	[tilespmem:$0x4400] =	vst v63  }
0xbc: {  	_ =	swait.ge [sflag:s3], $0x4000  }
0xbd: {  	[sflag:s3] =	ssyncset.done $0x0  }
0xbe: {  	[sflag:s3] =	ssyncadd.s32 $0xFFFFC000  }
0xbf: {  	[tilespmem:s2], [sflag:$0x2] =	stream.linear.gather [hbm4b:s9+s2], $0x400, $0x38;
	[tilespmem:$0x4400] =	vst v63  }
0xc0: {  	_ =	swait.ge [sflag:s3], $0x400  }
0xc1: {  	[sflag:s3] =	ssyncset.done $0x0  }
0xc2: {  	[sflag:s3] =	ssyncadd.s32 $0xFFFFFC00  }
0xc3: {  	[tilespmem:s5], [sflag:$0x1] =	stream.indirect.gather [hbm4b:s4+s5], $0x10, s2, s5, $0xb8;
	[tilespmem:$0x4400] =	vst v63  }
0xc4: {  	_ =	swait.ge [sflag:s6], $0x4000  }
0xc5: {  	[sflag:s6] =	ssyncset.done $0x0  }
0xc6: {  	[sflag:s6] =	ssyncadd.s32 $0xFFFFC000  }
0xc7: {  	[hbm4b:s10+s2] =	stream.linear.scatter [tilespmem:s5], [sflag:$0x2], $0x4000, $0x38;
	[tilespmem:$0x4400] =	vst v63  }
0xc8: {  	_ =	swait.ge [sflag:s3], $0x4000  }
0xc9: {  	[sflag:s3] =	ssyncset.done $0x0  }
0xca: {  	[sflag:s3] =	ssyncadd.s32 $0xFFFFC000  }
0xcb: {  	[tilespmem:s2], [sflag:$0x2] =	stream.linear.gather [hbm4b:s11+s2], $0x400, $0x38;
	[tilespmem:$0x4400] =	vst v63  }
0xcc: {  	_ =	swait.ge [sflag:s3], $0x400  }
0xcd: {  	[sflag:s3] =	ssyncset.done $0x0  }
0xce: {  	[sflag:s3] =	ssyncadd.s32 $0xFFFFFC00  }
0xcf: {  	[tilespmem:s5], [sflag:$0x1] =	stream.indirect.gather [hbm4b:s4+s5], $0x10, s2, s5, $0xb8;
	[tilespmem:$0x4400] =	vst v63  }
0xd0: {  	_ =	swait.ge [sflag:s6], $0x4000  }
0xd1: {  	[sflag:s6] =	ssyncset.done $0x0  }
0xd2: {  	[sflag:s6] =	ssyncadd.s32 $0xFFFFC000  }
0xd3: {  	[hbm4b:s12+s2] =	stream.linear.scatter [tilespmem:s5], [sflag:$0x2], $0x4000, $0x38;
	[tilespmem:$0x4400] =	vst v63  }
0xd4: {  	_ =	swait.ge [sflag:s3], $0x4000  }
0xd5: {  	[sflag:s3] =	ssyncset.done $0x0  }
0xd6: {  	[sflag:s3] =	ssyncadd.s32 $0xFFFFC000  }
0xd7: {  	[tilespmem:s2], [sflag:$0x2] =	stream.linear.gather [hbm4b:s13+s2], $0x400, $0x38;
	[tilespmem:$0x4400] =	vst v63  }
0xd8: {  	_ =	swait.ge [sflag:s3], $0x400  }
0xd9: {  	[sflag:s3] =	ssyncset.done $0x0  }
0xda: {  	[sflag:s3] =	ssyncadd.s32 $0xFFFFFC00  }
0xdb: {  	[tilespmem:s5], [sflag:$0x1] =	stream.indirect.gather [hbm4b:s4+s5], $0x10, s2, s5, $0xb8;
	[tilespmem:$0x4400] =	vst v63  }
0xdc: {  	_ =	swait.ge [sflag:s6], $0x4000  }
0xdd: {  	[sflag:s6] =	ssyncset.done $0x0  }
0xde: {  	[sflag:s6] =	ssyncadd.s32 $0xFFFFC000  }
0xdf: {  	[hbm4b:s14+s2] =	stream.linear.scatter [tilespmem:s5], [sflag:$0x2], $0x4000, $0x38;
	[tilespmem:$0x4400] =	vst v63  }
0xe0: {  	_ =	swait.ge [sflag:s3], $0x4000  }
0xe1: {  	[sflag:s3] =	ssyncset.done $0x0  }
0xe2: {  	[sflag:s3] =	ssyncadd.s32 $0xFFFFC000  }
0xe3: {  	[tilespmem:s2], [sflag:$0x2] =	stream.linear.gather [hbm4b:s15+s2], $0x400, $0x38;
	[tilespmem:$0x4400] =	vst v63  }
0xe4: {  	_ =	swait.ge [sflag:s3], $0x400  }
0xe5: {  	[sflag:s3] =	ssyncset.done $0x0  }
0xe6: {  	[sflag:s3] =	ssyncadd.s32 $0xFFFFFC00  }
0xe7: {  	[tilespmem:s5], [sflag:$0x1] =	stream.indirect.gather [hbm4b:s4+s5], $0x10, s2, s5, $0xb8;
	[tilespmem:$0x4400] =	vst v63  }
0xe8: {  	_ =	swait.ge [sflag:s6], $0x4000  }
0xe9: {  	[sflag:s6] =	ssyncset.done $0x0  }
0xea: {  	[sflag:s6] =	ssyncadd.s32 $0xFFFFC000  }
0xeb: {  	[hbm4b:s16+s2] =	stream.linear.scatter [tilespmem:s5], [sflag:$0x2], $0x4000, $0x38;
	[tilespmem:$0x4400] =	vst v63  }
0xec: {  	_ =	swait.ge [sflag:s3], $0x4000  }
0xed: {  	[sflag:s3] =	ssyncset.done $0x0  }
0xee: {  	[sflag:s3] =	ssyncadd.s32 $0xFFFFC000  }
0xef: {  	[tilespmem:s2], [sflag:$0x2] =	stream.linear.gather [hbm4b:s17+s2], $0x400, $0x38;
	[tilespmem:$0x4400] =	vst v63  }
0xf0: {  	_ =	swait.ge [sflag:s3], $0x400  }
0xf1: {  	[sflag:s3] =	ssyncset.done $0x0  }
0xf2: {  	[sflag:s3] =	ssyncadd.s32 $0xFFFFFC00  }
0xf3: {  	[tilespmem:s5], [sflag:$0x1] =	stream.indirect.gather [hbm4b:s4+s5], $0x10, s2, s5, $0xb8;
	[tilespmem:$0x4400] =	vst v63  }
0xf4: {  	_ =	swait.ge [sflag:s6], $0x4000  }
0xf5: {  	[sflag:s6] =	ssyncset.done $0x0  }
0xf6: {  	[sflag:s6] =	ssyncadd.s32 $0xFFFFC000  }
0xf7: {  	[hbm4b:s18+s2] =	stream.linear.scatter [tilespmem:s5], [sflag:$0x2], $0x4000, $0x38;
	[tilespmem:$0x4400] =	vst v63  }
0xf8: {  	_ =	swait.ge [sflag:s3], $0x4000  }
0xf9: {  	[sflag:s3] =	ssyncset.done $0x0  }
0xfa: {  	[sflag:s3] =	ssyncadd.s32 $0xFFFFC000  }
0xfb: {  	[tilespmem:s2], [sflag:$0x2] =	stream.linear.gather [hbm4b:s19+s2], $0x400, $0x38;
	[tilespmem:$0x4400] =	vst v63  }
0xfc: {  	_ =	swait.ge [sflag:s3], $0x400  }
0xfd: {  	[sflag:s3] =	ssyncset.done $0x0  }
0xfe: {  	[sflag:s3] =	ssyncadd.s32 $0xFFFFFC00  }
0xff: {  	[tilespmem:s5], [sflag:$0x1] =	stream.indirect.gather [hbm4b:s4+s5], $0x10, s2, s5, $0xb8;
	[tilespmem:$0x4400] =	vst v63  }
0x100: {  	_ =	swait.ge [sflag:s6], $0x4000  }
0x101: {  	[sflag:s6] =	ssyncset.done $0x0  }
0x102: {  	[sflag:s6] =	ssyncadd.s32 $0xFFFFC000  }
0x103: {  	[hbm4b:s20+s2] =	stream.linear.scatter [tilespmem:s5], [sflag:$0x2], $0x4000, $0x38;
	[tilespmem:$0x4400] =	vst v63  }
0x104: {  	_ =	swait.ge [sflag:s3], $0x4000  }
0x105: {  	[sflag:s3] =	ssyncset.done $0x0  }
0x106: {  	[sflag:s3] =	ssyncadd.s32 $0xFFFFC000  }
0x107: {  	[tilespmem:s2], [sflag:$0x2] =	stream.linear.gather [hbm4b:s21+s2], $0x400, $0x38;
	[tilespmem:$0x4400] =	vst v63  }
0x108: {  	_ =	swait.ge [sflag:s3], $0x400  }
0x109: {  	[sflag:s3] =	ssyncset.done $0x0  }
0x10a: {  	[sflag:s3] =	ssyncadd.s32 $0xFFFFFC00  }
0x10b: {  	[tilespmem:s5], [sflag:$0x1] =	stream.indirect.gather [hbm4b:s4+s5], $0x10, s2, s5, $0xb8;
	[tilespmem:$0x4400] =	vst v63  }
0x10c: {  	_ =	swait.ge [sflag:s6], $0x4000  }
0x10d: {  	[sflag:s6] =	ssyncset.done $0x0  }
0x10e: {  	[sflag:s6] =	ssyncadd.s32 $0xFFFFC000  }
0x10f: {  	[hbm4b:s22+s2] =	stream.linear.scatter [tilespmem:s5], [sflag:$0x2], $0x4000, $0x38;
	[tilespmem:$0x4400] =	vst v63  }
0x110: {  	_ =	swait.ge [sflag:s3], $0x4000  }
0x111: {  	[sflag:s3] =	ssyncset.done $0x0  }
0x112: {  	[sflag:s3] =	ssyncadd.s32 $0xFFFFC000  }
0x113: {  	[tilespmem:s2], [sflag:$0x2] =	stream.linear.gather [hbm4b:s23+s2], $0x400, $0x38;
	[tilespmem:$0x4400] =	vst v63  }
0x114: {  	_ =	swait.ge [sflag:s3], $0x400  }
0x115: {  	[sflag:s3] =	ssyncset.done $0x0  }
0x116: {  	[sflag:s3] =	ssyncadd.s32 $0xFFFFFC00  }
0x117: {  	[tilespmem:s5], [sflag:$0x1] =	stream.indirect.gather [hbm4b:s4+s5], $0x10, s2, s5, $0xb8;
	[tilespmem:$0x4400] =	vst v63  }
0x118: {  	_ =	swait.ge [sflag:s6], $0x4000  }
0x119: {  	[sflag:s6] =	ssyncset.done $0x0  }
0x11a: {  	[sflag:s6] =	ssyncadd.s32 $0xFFFFC000  }
0x11b: {  	[hbm4b:s24+s2] =	stream.linear.scatter [tilespmem:s5], [sflag:$0x2], $0x4000, $0x38;
	[tilespmem:$0x4400] =	vst v63  }
0x11c: {  	_ =	swait.ge [sflag:s3], $0x4000  }
0x11d: {  	[sflag:s3] =	ssyncset.done $0x0  }
0x11e: {  	[sflag:s3] =	ssyncadd.s32 $0xFFFFC000  }
0x11f: {  	[tilespmem:s2], [sflag:$0x2] =	stream.linear.gather [hbm4b:s25+s2], $0x400, $0x38;
	[tilespmem:$0x4400] =	vst v63  }
0x120: {  	_ =	swait.ge [sflag:s3], $0x400  }
0x121: {  	[sflag:s3] =	ssyncset.done $0x0  }
0x122: {  	[sflag:s3] =	ssyncadd.s32 $0xFFFFFC00  }
0x123: {  	[tilespmem:s5], [sflag:$0x1] =	stream.indirect.gather [hbm4b:s4+s5], $0x10, s2, s5, $0xb8;
	[tilespmem:$0x4400] =	vst v63  }
0x124: {  	_ =	swait.ge [sflag:s6], $0x4000  }
0x125: {  	[sflag:s6] =	ssyncset.done $0x0  }
0x126: {  	[sflag:s6] =	ssyncadd.s32 $0xFFFFC000  }
0x127: {  	[hbm4b:s26+s2] =	stream.linear.scatter [tilespmem:s5], [sflag:$0x2], $0x4000, $0x38;
	[tilespmem:$0x4400] =	vst v63  }
0x128: {  	_ =	swait.ge [sflag:s3], $0x4000  }
0x129: {  	[sflag:s3] =	ssyncset.done $0x0  }
0x12a: {  	[sflag:s3] =	ssyncadd.s32 $0xFFFFC000  }
0x12b: {  	[tilespmem:s2], [sflag:$0x2] =	stream.linear.gather [hbm4b:s28+s2], $0x400, $0x38;
	[tilespmem:$0x4400] =	vst v63  }
0x12c: {  	_ =	swait.ge [sflag:s3], $0x400  }
0x12d: {  	[sflag:s3] =	ssyncset.done $0x0  }
0x12e: {  	[sflag:s3] =	ssyncadd.s32 $0xFFFFFC00  }
0x12f: {  	[tilespmem:s5], [sflag:$0x1] =	stream.indirect.gather [hbm4b:s4+s5], $0x10, s2, s5, $0xb8;
	[tilespmem:$0x4400] =	vst v63  }
0x130: {  	_ =	swait.ge [sflag:s6], $0x4000  }
0x131: {  	[sflag:s6] =	ssyncset.done $0x0  }
0x132: {  	[sflag:s6] =	ssyncadd.s32 $0xFFFFC000  }
0x133: {  	[hbm4b:s29+s2] =	stream.linear.scatter [tilespmem:s5], [sflag:$0x2], $0x4000, $0x38;
	[tilespmem:$0x4400] =	vst v63  }
0x134: {  	_ =	swait.ge [sflag:s3], $0x4000  }
0x135: {  	[sflag:s3] =	ssyncset.done $0x0  }
0x136: {  	[sflag:s3] =	ssyncadd.s32 $0xFFFFC000  }
0x137: {  	[tilespmem:s2], [sflag:$0x2] =	stream.linear.gather [hbm4b:s30+s2], $0x400, $0x38;
	[tilespmem:$0x4400] =	vst v63  }
0x138: {  	_ =	swait.ge [sflag:s3], $0x400  }
0x139: {  	[sflag:s3] =	ssyncset.done $0x0  }
0x13a: {  	p0 =	sne.s32 s1, $0x1;
	[sflag:s3] =	ssyncadd.s32 $0xFFFFFC00  }
0x13b: {  	[tilespmem:s5], [sflag:$0x1] =	stream.indirect.gather [hbm4b:s4+s5], $0x10, s2, s5, $0xb8;
	[tilespmem:$0x4400] =	vst v63  }
.Ltmp1:
0x13c: {  	_ =	swait.ge [sflag:s6], $0x4000;
	(pc) =	sbr.rel @p0 .LBB2_1-.Ltmp1, $4  }
0x13d: {  	[sflag:s6] =	ssyncset.done $0x0  }
0x13e: {  	[sflag:s6] =	ssyncadd.s32 $0xFFFFC000  }
0x13f: {  	[hbm4b:s31+s2] =	stream.linear.scatter [tilespmem:s5], [sflag:$0x2], $0x4000, $0x38;
	[tilespmem:$0x4400] =	vst v63  }
0x140: {  	s1 =	sadd.s32 $0xFFFFFFFF, s1;
	_ =	swait.ge [sflag:s3], $0x4000  }
.LBB2_2:
0x141: {  	[sflag:s3] =	ssyncset.done $0x0  }
0x142: {  	[sflag:s3] =	ssyncadd.s32 $0xFFFFC000  }
0x143: {  	_ =	sfence.sel $0x180000  }
0x144: {  	[bflag:$0x0] =	sbarrier.arrive $0xFFFF  }
0x145: {  	_ =	strace $0x90000047  }
0x146: {  	s0 =	stileid.u32;
	[bflag:$0x2] =	sbarrier.arrive $0xFFFF  }
0x147: {  	p0 =	sne.s32 s0, $0x0;
	s0 =	rddreg [dreg:$0x1]  }
0x148: {  	s0 =	sadd.s32 @!p0 $0x100000, s0  }
0x149: {  	[sflag:s0] =	ssyncadd.tile.s32 @!p0 $0x1;
	_ =	shalt  }
.Lfunc_end2:
_tile_overlayer_lowered:
.L_overlay_start_2:
0x14a: {  	(tag) =	ssettag $0x2  }
0x14b: {  	s0 =	rddreg [dreg:$0x0];
	s2 =	stileid.u32  }
0x14c: {  	s1 =	rddreg [dreg:$0x1];
	p0 =	sne.s32 s2, $0x0  }
0x14d: {  	s3 =	rddreg [dreg:$0x2];
	[bflag:$0x3] =	sbarrier.arrive $0xFFFF;
	s2 =	simm.s32 @!p0 $0x1C02  }
0x14e: {  	[timem:s3], [sflag:s2] =	dma.local @!p0 [hbm:s0], s1  }
0x14f: {  	s0 =	simm.s32 @!p0 $0x2  }
0x150: {  	_ =	swait.ge @!p0 [sflag:s0], s1  }
0x151: {  	s1 =	ssub.s32 @!p0 $0x0, s1;
	[sflag:s0] =	ssyncset.done @!p0 $0x0  }
0x152: {  	[sflag:s0] =	ssyncadd.s32 @!p0 s1  }
0x153: {  	[bflag:$0x3] =	sbarrier.arrive $0xFFFF  }
0x154: {  	_ =	shalt  }

</sc_bundles>
